<compile_context>
chip_gen: v7x
topology: tpu7x:2x2x1
jax: 0.10.2.dev20260603
libtpu: 0.0.44.dev20260713+nightly
codegen_flags: <defaults>
</compile_context>

<pallas_src>
import functools
import jax
import jax.numpy as jnp
from jax import lax
from jax.experimental import pallas as pl
from jax.experimental.pallas import tpu as pltpu
import jax.experimental.pallas.tpu_sc as plsc

N_NODES = 10000
N_EDGES = 160000
D = 256
H = 64
NS = 16
EPT = N_EDGES // NS
K = 80
NCHUNK = EPT // K
NPAD = 10240
STRIPE = NPAD // NS
OSUB = 5
OROWS = STRIPE // OSUB
BN = 1000


def _mm1_body(x_ref, w_ref, b_ref, p0_ref, p1_ref, p2_ref, p3_ref):
    h = jnp.dot(x_ref[...], w_ref[...], preferred_element_type=jnp.float32)
    h = jnp.maximum(h + b_ref[...], 0.0)
    p0_ref[...] = h[:, 0 * H:1 * H]
    p1_ref[...] = h[:, 1 * H:2 * H]
    p2_ref[...] = h[:, 2 * H:3 * H]
    p3_ref[...] = h[:, 3 * H:4 * H]


def _mm2_body(x_ref, a0_ref, a1_ref, a2_ref, a3_ref, wa_ref, wb0_ref,
              wb1_ref, wb2_ref, wb3_ref, c_ref, o_ref):
    acc = jnp.dot(x_ref[...], wa_ref[...], preferred_element_type=jnp.float32)
    acc += jnp.dot(a0_ref[...], wb0_ref[...], preferred_element_type=jnp.float32)
    acc += jnp.dot(a1_ref[...], wb1_ref[...], preferred_element_type=jnp.float32)
    acc += jnp.dot(a2_ref[...], wb2_ref[...], preferred_element_type=jnp.float32)
    acc += jnp.dot(a3_ref[...], wb3_ref[...], preferred_element_type=jnp.float32)
    o_ref[...] = jnp.maximum(acc + c_ref[...], 0.0)


def _sc_body(pA, pB, nbr, dst, w, zrow, zcnt, ones_h,
             aggA_out, aggB_out,
             nbr_v, w_v, dst_v, rows_v, ones_v, obuf_v, cnt_v,
             agg_sh, cnt_sh, sem):
    c = lax.axis_index("c")
    s = lax.axis_index("s")
    base_n = s * STRIPE

    pltpu.sync_copy(zrow, agg_sh.at[pl.ds(base_n, STRIPE)])
    pltpu.sync_copy(zcnt, cnt_sh.at[pl.ds(base_n, STRIPE)])
    pltpu.sync_copy(nbr.at[pl.ds(s * EPT, EPT)], nbr_v)
    pltpu.sync_copy(w.at[pl.ds(s * EPT, EPT)], w_v)
    pltpu.sync_copy(dst.at[s], dst_v)
    pltpu.sync_copy(ones_h, ones_v)
    plsc.subcore_barrier()

    def chunk_body(g, carry):
        idx = nbr_v.at[pl.ds(g * K, K)]
        @pl.when(c == 0)
        def _():
            pltpu.async_copy(pA.at[idx], rows_v, sem).wait()
        @pl.when(c == 1)
        def _():
            pltpu.async_copy(pB.at[idx], rows_v, sem).wait()

        def edge_body(e, carry2):
            wv = plsc.load_gather(w_v, [jnp.full((16,), g * K + e, jnp.int32)])
            for j in range(H // 16):
                sl = pl.ds(j * 16, 16)
                rows_v[e, sl] = rows_v[e, sl] * wv
            return carry2
        lax.fori_loop(0, K, edge_body, 0, unroll=2)

        didx = dst_v.at[g]
        pltpu.sync_copy(rows_v, agg_sh.at[didx], add=True)
        pltpu.sync_copy(ones_v, cnt_sh.at[didx], add=True)
        return carry
    lax.fori_loop(0, NCHUNK, chunk_body, 0)
    plsc.subcore_barrier()

    def out_piece(t, carry):
        row0 = base_n + t * OROWS
        pltpu.sync_copy(agg_sh.at[pl.ds(row0, OROWS)], obuf_v)
        pltpu.sync_copy(cnt_sh.at[pl.ds(row0, OROWS)], cnt_v)

        def row_body(r, carry2):
            cv = cnt_v[r, pl.ds(0, 16)]
            inv = 1.0 / jnp.maximum(cv, 1.0)
            for j in range(H // 16):
                sl = pl.ds(j * 16, 16)
                obuf_v[r, sl] = obuf_v[r, sl] * inv
            return carry2
        lax.fori_loop(0, OROWS, row_body, 0, unroll=2)

        @pl.when(c == 0)
        def _():
            pltpu.sync_copy(obuf_v, aggA_out.at[pl.ds(row0, OROWS)])
        @pl.when(c == 1)
        def _():
            pltpu.sync_copy(obuf_v, aggB_out.at[pl.ds(row0, OROWS)])
        return carry
    lax.fori_loop(0, OSUB, out_piece, 0)


def _sc_call(pA, pB, nbr, dst, w2d, zrow, zcnt, ones_h):
    f32 = jnp.float32
    mesh = plsc.VectorSubcoreMesh(core_axis_name="c", subcore_axis_name="s")
    return pl.kernel(
        _sc_body,
        out_type=[
            jax.ShapeDtypeStruct((NPAD, H), f32),
            jax.ShapeDtypeStruct((NPAD, H), f32),
        ],
        mesh=mesh,
        scratch_types=[
            pltpu.VMEM((EPT,), jnp.int32),
            pltpu.VMEM((EPT,), f32),
            pltpu.VMEM((NCHUNK, K), jnp.int32),
            pltpu.VMEM((K, H), f32),
            pltpu.VMEM((K, 16), f32),
            pltpu.VMEM((OROWS, H), f32),
            pltpu.VMEM((OROWS, 16), f32),
            pltpu.VMEM_SHARED((NPAD, H), f32),
            pltpu.VMEM_SHARED((NPAD, 16), f32),
            pltpu.SemaphoreType.DMA,
        ],
        compiler_params=pltpu.CompilerParams(
            needs_layout_passes=False, use_tc_tiling_on_sc=False),
    )(pA, pB, nbr, dst, w2d, zrow, zcnt, ones_h)


@jax.jit
def kernel(node_reps, edges, edge_weights, prep_gamma, prep_beta, prep_mean,
           prep_var, prep_W, prep_b, upd_gamma, upd_beta, upd_mean, upd_var,
           upd_W, upd_b):
    f32 = jnp.float32
    s1 = prep_gamma / jnp.sqrt(prep_var + 1e-3)
    t1 = prep_beta - prep_mean * s1
    W1 = s1[:, None] * prep_W
    b1 = (t1 @ prep_W + prep_b)[None, :]
    s2 = upd_gamma / jnp.sqrt(upd_var + 1e-3)
    t2 = upd_beta - upd_mean * s2
    W2 = s2[:, None] * upd_W
    c2 = (t2 @ upd_W + upd_b)[None, :]
    WA = W2[:D]
    WB = [W2[D + q * H:D + (q + 1) * H] for q in range(4)]

    grid = N_NODES // BN
    ps = pl.pallas_call(
        _mm1_body,
        grid=(grid,),
        in_specs=[
            pl.BlockSpec((BN, D), lambda i: (i, 0)),
            pl.BlockSpec((D, D), lambda i: (0, 0)),
            pl.BlockSpec((1, D), lambda i: (0, 0)),
        ],
        out_specs=[pl.BlockSpec((BN, H), lambda i: (i, 0))] * 4,
        out_shape=[jax.ShapeDtypeStruct((N_NODES, H), f32)] * 4,
    )(node_reps, W1, b1)

    nbr = edges[1]
    dst = edges[0].reshape(NS, NCHUNK, K)
    w2d = edge_weights
    zrow = jnp.zeros((STRIPE, H), f32)
    zcnt = jnp.zeros((STRIPE, 16), f32)
    ones_h = jnp.ones((K, 16), f32)

    agg0, agg1 = _sc_call(ps[0], ps[1], nbr, dst, w2d, zrow, zcnt, ones_h)
    agg2, agg3 = _sc_call(ps[2], ps[3], nbr, dst, w2d, zrow, zcnt, ones_h)
    aggs = [a[:N_NODES] for a in (agg0, agg1, agg2, agg3)]

    out = pl.pallas_call(
        _mm2_body,
        grid=(grid,),
        in_specs=[
            pl.BlockSpec((BN, D), lambda i: (i, 0)),
            pl.BlockSpec((BN, H), lambda i: (i, 0)),
            pl.BlockSpec((BN, H), lambda i: (i, 0)),
            pl.BlockSpec((BN, H), lambda i: (i, 0)),
            pl.BlockSpec((BN, H), lambda i: (i, 0)),
            pl.BlockSpec((D, D), lambda i: (0, 0)),
            pl.BlockSpec((H, D), lambda i: (0, 0)),
            pl.BlockSpec((H, D), lambda i: (0, 0)),
            pl.BlockSpec((H, D), lambda i: (0, 0)),
            pl.BlockSpec((H, D), lambda i: (0, 0)),
            pl.BlockSpec((1, D), lambda i: (0, 0)),
        ],
        out_specs=pl.BlockSpec((BN, D), lambda i: (i, 0)),
        out_shape=jax.ShapeDtypeStruct((N_NODES, D), f32),
    )(node_reps, aggs[0], aggs[1], aggs[2], aggs[3],
      WA, WB[0], WB[1], WB[2], WB[3], c2)
    return out

# --- scband reference (transcript-rebuilt; emitter-appended) ---
"""Pipeline reference for scband-grahn-conv-layer-30434138260203 (READ-ONLY COPY).

The authoritative reference and input builder live on the scoring server;
editing this copy changes nothing except your own understanding.
"""

import jax, jax.numpy as jnp
import numpy as np

N_NODES = 10000
N_EDGES = 160000
D_FEAT = 256


def setup_inputs(seed: int = 0) -> dict:
    key = jax.random.key(seed)
    ks = jax.random.split(key, 8)
    node_reps = jax.random.normal(ks[0], (N_NODES, D_FEAT), dtype=jnp.float32)
    edges = jax.random.randint(ks[1], (2, N_EDGES), 0, N_NODES, dtype=jnp.int32)
    edge_weights = jax.random.uniform(ks[2], (N_EDGES,), dtype=jnp.float32)
    # fnn_prepare params: BatchNorm (inference) + Dense(256, relu) on D_FEAT inputs
    prep_gamma = jnp.ones((D_FEAT,), dtype=jnp.float32)
    prep_beta = jnp.zeros((D_FEAT,), dtype=jnp.float32)
    prep_mean = jnp.zeros((D_FEAT,), dtype=jnp.float32)
    prep_var = jnp.ones((D_FEAT,), dtype=jnp.float32)
    prep_W = jax.random.normal(ks[3], (D_FEAT, 256), dtype=jnp.float32) * 0.05
    prep_b = jnp.zeros((256,), dtype=jnp.float32)
    # update ffn params: BatchNorm (inference) + Dense(256, relu) on concat(2*D) inputs
    upd_gamma = jnp.ones((2 * D_FEAT,), dtype=jnp.float32)
    upd_beta = jnp.zeros((2 * D_FEAT,), dtype=jnp.float32)
    upd_mean = jnp.zeros((2 * D_FEAT,), dtype=jnp.float32)
    upd_var = jnp.ones((2 * D_FEAT,), dtype=jnp.float32)
    upd_W = jax.random.normal(ks[4], (2 * D_FEAT, 256), dtype=jnp.float32) * 0.05
    upd_b = jnp.zeros((256,), dtype=jnp.float32)
    return {
        "node_reps": node_reps,
        "edges": edges,
        "edge_weights": edge_weights,
        "prep_gamma": prep_gamma,
        "prep_beta": prep_beta,
        "prep_mean": prep_mean,
        "prep_var": prep_var,
        "prep_W": prep_W,
        "prep_b": prep_b,
        "upd_gamma": upd_gamma,
        "upd_beta": upd_beta,
        "upd_mean": upd_mean,
        "upd_var": upd_var,
        "upd_W": upd_W,
        "upd_b": upd_b,
    }


def reference(node_reps, edges, edge_weights, prep_gamma, prep_beta, prep_mean,
              prep_var, prep_W, prep_b, upd_gamma, upd_beta, upd_mean, upd_var,
              upd_W, upd_b):
    num_nodes = node_reps.shape[0]
    node_indices = edges[0]
    neighbour_indices = edges[1]
    # gather neighbour representations
    neighbour_reps = jnp.take(node_reps, neighbour_indices, axis=0)
    # prepare: ffn (BN inference + Dense relu), then weight messages
    h = (neighbour_reps - prep_mean) / jnp.sqrt(prep_var + 1e-3) * prep_gamma + prep_beta
    messages = jax.nn.relu(h @ prep_W + prep_b)
    messages = messages * edge_weights[:, None]
    # aggregate: unsorted segment mean over destination nodes
    summed = jax.ops.segment_sum(messages, node_indices, num_segments=num_nodes)
    counts = jax.ops.segment_sum(jnp.ones((messages.shape[0],), dtype=messages.dtype),
                                 node_indices, num_segments=num_nodes)
    aggregated = summed / jnp.maximum(counts, 1.0)[:, None]
    # update: concat combination + ffn (BN inference + Dense relu)
    h_cat = jnp.concatenate([node_reps, aggregated], axis=1)
    h2 = (h_cat - upd_mean) / jnp.sqrt(upd_var + 1e-3) * upd_gamma + upd_beta
    node_embedding = jax.nn.relu(h2 @ upd_W + upd_b)
    return node_embedding

if __name__ == "__main__":
    import jax
    _d = setup_inputs()
    print(jax.jit(kernel)(*tuple(_d.values())))

</pallas_src>

<mosaic_0001>
#map = affine_map<(d0, d1) -> (0, 0)>
#map1 = affine_map<(d0, d1) -> (0)>
#map2 = affine_map<(d0, d1) -> (0, 0, 0)>
module attributes {stable_mosaic.version = 14 : i64} {
  func.func @_sc_body(%arg0: i32, %arg1: i32, %arg2: memref<10000x64xf32, #tpu.memory_space<hbm>>, %arg3: memref<10000x64xf32, #tpu.memory_space<hbm>>, %arg4: memref<160000xi32, #tpu.memory_space<hbm>>, %arg5: memref<16x125x80xi32, #tpu.memory_space<hbm>>, %arg6: memref<160000xf32, #tpu.memory_space<hbm>>, %arg7: memref<640x64xf32, #tpu.memory_space<hbm>>, %arg8: memref<640x16xf32, #tpu.memory_space<hbm>>, %arg9: memref<80x16xf32, #tpu.memory_space<hbm>>, %arg10: memref<10240x64xf32, #tpu.memory_space<hbm>>, %arg11: memref<10240x64xf32, #tpu.memory_space<hbm>>, %arg12: memref<10000xi32, #tpu.memory_space<vmem>>, %arg13: memref<10000xf32, #tpu.memory_space<vmem>>, %arg14: memref<125x80xi32, #tpu.memory_space<vmem>>, %arg15: memref<80x64xf32, #tpu.memory_space<vmem>>, %arg16: memref<80x16xf32, #tpu.memory_space<vmem>>, %arg17: memref<128x64xf32, #tpu.memory_space<vmem>>, %arg18: memref<128x16xf32, #tpu.memory_space<vmem>>, %arg19: memref<10240x64xf32, #tpu.memory_space<vmem_shared>>, %arg20: memref<10240x16xf32, #tpu.memory_space<vmem_shared>>, %arg21: memref<!tpu.dma_semaphore, #tpu.memory_space<semaphore_mem>>) attributes {dimension_semantics = [#tpu.dimension_semantics<core_parallel>, #tpu.dimension_semantics<subcore_parallel>], iteration_bounds = array<i64: 2, 16>, scalar_prefetch = 0 : i64, scratch_operands = 10 : i64, tpu.core_type = #tpu.core_type<sc_vector_subcore>, window_params = [{transform_indices = #map}, {transform_indices = #map}, {transform_indices = #map1}, {transform_indices = #map2}, {transform_indices = #map1}, {transform_indices = #map}, {transform_indices = #map}, {transform_indices = #map}, {transform_indices = #map}, {transform_indices = #map}]} {
    %mul3A = arith.constant 640 : i32
    %mul3A_0 = arith.muli %arg1, %mul3A : i32
    "tpu.region"() ({
      %run_scoped3A = tpu.sem_alloc : memref<!tpu.dma_semaphore, #tpu.memory_space<semaphore_mem>>
      %dma_start3A = arith.constant 0 : i32
      %dma_start3A_17 = tpu.memref_slice %arg19[%mul3A_0, %dma_start3A] : memref<10240x64xf32, #tpu.memory_space<vmem_shared>> -> memref<640x64xf32, #tpu.memory_space<vmem_shared>>
      tpu.enqueue_dma source(%arg7 : memref<640x64xf32, #tpu.memory_space<hbm>>) target(%dma_start3A_17 : memref<640x64xf32, #tpu.memory_space<vmem_shared>>) target_semaphore(%run_scoped3A : memref<!tpu.dma_semaphore, #tpu.memory_space<semaphore_mem>>)
      %dma_wait3A = arith.constant 0 : i32
      %dma_wait3A_18 = tpu.memref_slice %arg19[%mul3A_0, %dma_wait3A] : memref<10240x64xf32, #tpu.memory_space<vmem_shared>> -> memref<640x64xf32, #tpu.memory_space<vmem_shared>>
      tpu.wait_dma2 semaphore(%run_scoped3A : memref<!tpu.dma_semaphore, #tpu.memory_space<semaphore_mem>>) src(%arg7 : memref<640x64xf32, #tpu.memory_space<hbm>>) dst(%dma_wait3A_18 : memref<640x64xf32, #tpu.memory_space<vmem_shared>>)
      tpu.yield
    }) : () -> ()
    "tpu.region"() ({
      %run_scoped3A = tpu.sem_alloc : memref<!tpu.dma_semaphore, #tpu.memory_space<semaphore_mem>>
      %dma_start3A = arith.constant 0 : i32
      %dma_start3A_17 = tpu.memref_slice %arg20[%mul3A_0, %dma_start3A] : memref<10240x16xf32, #tpu.memory_space<vmem_shared>> -> memref<640x16xf32, #tpu.memory_space<vmem_shared>>
      tpu.enqueue_dma source(%arg8 : memref<640x16xf32, #tpu.memory_space<hbm>>) target(%dma_start3A_17 : memref<640x16xf32, #tpu.memory_space<vmem_shared>>) target_semaphore(%run_scoped3A : memref<!tpu.dma_semaphore, #tpu.memory_space<semaphore_mem>>)
      %dma_wait3A = arith.constant 0 : i32
      %dma_wait3A_18 = tpu.memref_slice %arg20[%mul3A_0, %dma_wait3A] : memref<10240x16xf32, #tpu.memory_space<vmem_shared>> -> memref<640x16xf32, #tpu.memory_space<vmem_shared>>
      tpu.wait_dma2 semaphore(%run_scoped3A : memref<!tpu.dma_semaphore, #tpu.memory_space<semaphore_mem>>) src(%arg8 : memref<640x16xf32, #tpu.memory_space<hbm>>) dst(%dma_wait3A_18 : memref<640x16xf32, #tpu.memory_space<vmem_shared>>)
      tpu.yield
    }) : () -> ()
    %mul3A_1 = arith.constant 10000 : i32
    %mul3A_2 = arith.muli %arg1, %mul3A_1 : i32
    "tpu.region"() ({
      %run_scoped3A = tpu.sem_alloc : memref<!tpu.dma_semaphore, #tpu.memory_space<semaphore_mem>>
      %dma_start3A = tpu.memref_slice %arg4[%mul3A_2] : memref<160000xi32, #tpu.memory_space<hbm>> -> memref<10000xi32, #tpu.memory_space<hbm>>
      %dma_start3A_17 = tpu.memref_slice %arg4[%mul3A_2] : memref<160000xi32, #tpu.memory_space<hbm>> -> memref<10000xi32, #tpu.memory_space<hbm>>
      tpu.enqueue_dma source(%dma_start3A_17 : memref<10000xi32, #tpu.memory_space<hbm>>) target(%arg12 : memref<10000xi32, #tpu.memory_space<vmem>>) target_semaphore(%run_scoped3A : memref<!tpu.dma_semaphore, #tpu.memory_space<semaphore_mem>>)
      %dma_wait3A = tpu.memref_slice %arg4[%mul3A_2] : memref<160000xi32, #tpu.memory_space<hbm>> -> memref<10000xi32, #tpu.memory_space<hbm>>
      %dma_wait3A_18 = tpu.memref_slice %arg4[%mul3A_2] : memref<160000xi32, #tpu.memory_space<hbm>> -> memref<10000xi32, #tpu.memory_space<hbm>>
      tpu.wait_dma2 semaphore(%run_scoped3A : memref<!tpu.dma_semaphore, #tpu.memory_space<semaphore_mem>>) src(%dma_wait3A_18 : memref<10000xi32, #tpu.memory_space<hbm>>) dst(%arg12 : memref<10000xi32, #tpu.memory_space<vmem>>)
      tpu.yield
    }) : () -> ()
    %mul3A_3 = arith.constant 10000 : i32
    %mul3A_4 = arith.muli %arg1, %mul3A_3 : i32
    "tpu.region"() ({
      %run_scoped3A = tpu.sem_alloc : memref<!tpu.dma_semaphore, #tpu.memory_space<semaphore_mem>>
      %dma_start3A = tpu.memref_slice %arg6[%mul3A_4] : memref<160000xf32, #tpu.memory_space<hbm>> -> memref<10000xf32, #tpu.memory_space<hbm>>
      %dma_start3A_17 = tpu.memref_slice %arg6[%mul3A_4] : memref<160000xf32, #tpu.memory_space<hbm>> -> memref<10000xf32, #tpu.memory_space<hbm>>
      tpu.enqueue_dma source(%dma_start3A_17 : memref<10000xf32, #tpu.memory_space<hbm>>) target(%arg13 : memref<10000xf32, #tpu.memory_space<vmem>>) target_semaphore(%run_scoped3A : memref<!tpu.dma_semaphore, #tpu.memory_space<semaphore_mem>>)
      %dma_wait3A = tpu.memref_slice %arg6[%mul3A_4] : memref<160000xf32, #tpu.memory_space<hbm>> -> memref<10000xf32, #tpu.memory_space<hbm>>
      %dma_wait3A_18 = tpu.memref_slice %arg6[%mul3A_4] : memref<160000xf32, #tpu.memory_space<hbm>> -> memref<10000xf32, #tpu.memory_space<hbm>>
      tpu.wait_dma2 semaphore(%run_scoped3A : memref<!tpu.dma_semaphore, #tpu.memory_space<semaphore_mem>>) src(%dma_wait3A_18 : memref<10000xf32, #tpu.memory_space<hbm>>) dst(%arg13 : memref<10000xf32, #tpu.memory_space<vmem>>)
      tpu.yield
    }) : () -> ()
    "tpu.region"() ({
      %run_scoped3A = tpu.sem_alloc : memref<!tpu.dma_semaphore, #tpu.memory_space<semaphore_mem>>
      %dma_start3A = arith.constant 0 : i32
      %dma_start3A_17 = arith.constant 0 : i32
      %dma_start3A_18 = tpu.memref_slice %arg5[%arg1, %dma_start3A, %dma_start3A_17] : memref<16x125x80xi32, #tpu.memory_space<hbm>> -> memref<1x125x80xi32, #tpu.memory_space<hbm>>
      %dma_start3A_19 = tpu.memref_squeeze %dma_start3A_18 : memref<1x125x80xi32, #tpu.memory_space<hbm>> -> memref<125x80xi32, #tpu.memory_space<hbm>>
      %dma_start3A_20 = arith.constant 0 : i32
      %dma_start3A_21 = arith.constant 0 : i32
      %dma_start3A_22 = tpu.memref_slice %arg5[%arg1, %dma_start3A_20, %dma_start3A_21] : memref<16x125x80xi32, #tpu.memory_space<hbm>> -> memref<1x125x80xi32, #tpu.memory_space<hbm>>
      %dma_start3A_23 = tpu.memref_squeeze %dma_start3A_22 : memref<1x125x80xi32, #tpu.memory_space<hbm>> -> memref<125x80xi32, #tpu.memory_space<hbm>>
      tpu.enqueue_dma source(%dma_start3A_23 : memref<125x80xi32, #tpu.memory_space<hbm>>) target(%arg14 : memref<125x80xi32, #tpu.memory_space<vmem>>) target_semaphore(%run_scoped3A : memref<!tpu.dma_semaphore, #tpu.memory_space<semaphore_mem>>)
      %dma_wait3A = arith.constant 0 : i32
      %dma_wait3A_24 = arith.constant 0 : i32
      %dma_wait3A_25 = tpu.memref_slice %arg5[%arg1, %dma_wait3A, %dma_wait3A_24] : memref<16x125x80xi32, #tpu.memory_space<hbm>> -> memref<1x125x80xi32, #tpu.memory_space<hbm>>
      %dma_wait3A_26 = tpu.memref_squeeze %dma_wait3A_25 : memref<1x125x80xi32, #tpu.memory_space<hbm>> -> memref<125x80xi32, #tpu.memory_space<hbm>>
      %dma_wait3A_27 = arith.constant 0 : i32
      %dma_wait3A_28 = arith.constant 0 : i32
      %dma_wait3A_29 = tpu.memref_slice %arg5[%arg1, %dma_wait3A_27, %dma_wait3A_28] : memref<16x125x80xi32, #tpu.memory_space<hbm>> -> memref<1x125x80xi32, #tpu.memory_space<hbm>>
      %dma_wait3A_30 = tpu.memref_squeeze %dma_wait3A_29 : memref<1x125x80xi32, #tpu.memory_space<hbm>> -> memref<125x80xi32, #tpu.memory_space<hbm>>
      tpu.wait_dma2 semaphore(%run_scoped3A : memref<!tpu.dma_semaphore, #tpu.memory_space<semaphore_mem>>) src(%dma_wait3A_30 : memref<125x80xi32, #tpu.memory_space<hbm>>) dst(%arg14 : memref<125x80xi32, #tpu.memory_space<vmem>>)
      tpu.yield
    }) : () -> ()
    "tpu.region"() ({
      %run_scoped3A = tpu.sem_alloc : memref<!tpu.dma_semaphore, #tpu.memory_space<semaphore_mem>>
      tpu.enqueue_dma source(%arg9 : memref<80x16xf32, #tpu.memory_space<hbm>>) target(%arg16 : memref<80x16xf32, #tpu.memory_space<vmem>>) target_semaphore(%run_scoped3A : memref<!tpu.dma_semaphore, #tpu.memory_space<semaphore_mem>>)
      tpu.wait_dma2 semaphore(%run_scoped3A : memref<!tpu.dma_semaphore, #tpu.memory_space<semaphore_mem>>) src(%arg9 : memref<80x16xf32, #tpu.memory_space<hbm>>) dst(%arg16 : memref<80x16xf32, #tpu.memory_space<vmem>>)
      tpu.yield
    }) : () -> ()
    %barrier3A = arith.constant 0 : index
    tpu.barrier barrier_id(%barrier3A)
    %scan3A = arith.constant 0 : i32
    %scan3A_5 = arith.constant 0 : i32
    %scan3A_6 = arith.constant 125 : i32
    %scan3A_7 = arith.addi %scan3A_5, %scan3A_6 : i32
    %scan3A_8 = arith.constant 1 : i32
    scf.for %scan3A_17 = %scan3A_5 to %scan3A_7 step %scan3A_8  : i32 {
      %mul3A_18 = arith.constant 80 : i32
      %mul3A_19 = arith.muli %scan3A_17, %mul3A_18 : i32
      %eq3A = arith.constant 0 : i32
      %eq3A_20 = arith.cmpi eq, %arg0, %eq3A : i32
      %convert_element_type3A = arith.extui %eq3A_20 : i1 to i32
      %cond3A = arith.constant 0 : i32
      %cond3A_21 = arith.cmpi ne, %convert_element_type3A, %cond3A : i32
      scf.if %cond3A_21 {
        %dma_start3A = tpu.memref_slice %arg12[%mul3A_19] : memref<10000xi32, #tpu.memory_space<vmem>> -> memref<80xi32, #tpu.memory_space<vmem>>
        %dma_start3A_33 = arith.constant 0 : i32
        %dma_start3A_34 = arith.constant 0 : i32
        %dma_start3A_35 = tpu.memref_slice %arg2[%dma_start3A_33, %dma_start3A_34] : memref<10000x64xf32, #tpu.memory_space<hbm>> -> memref<10000x64xf32, #tpu.memory_space<hbm>>
        tpu.enqueue_indirect_dma source(%dma_start3A_35 : memref<10000x64xf32, #tpu.memory_space<hbm>>) target(%arg15 : memref<80x64xf32, #tpu.memory_space<vmem>>) offsets(%dma_start3A : memref<80xi32, #tpu.memory_space<vmem>>) semaphore(%arg21 : memref<!tpu.dma_semaphore, #tpu.memory_space<semaphore_mem>>)
        %dma_wait3A = tpu.memref_slice %arg12[%mul3A_19] : memref<10000xi32, #tpu.memory_space<vmem>> -> memref<80xi32, #tpu.memory_space<vmem>>
        %dma_wait3A_36 = arith.constant 0 : i32
        %dma_wait3A_37 = arith.constant 0 : i32
        %dma_wait3A_38 = tpu.memref_slice %arg2[%dma_wait3A_36, %dma_wait3A_37] : memref<10000x64xf32, #tpu.memory_space<hbm>> -> memref<10000x64xf32, #tpu.memory_space<hbm>>
        tpu.wait_indirect_dma semaphore(%arg21 : memref<!tpu.dma_semaphore, #tpu.memory_space<semaphore_mem>>) src(%dma_wait3A_38 : memref<10000x64xf32, #tpu.memory_space<hbm>>) dst(%arg15 : memref<80x64xf32, #tpu.memory_space<vmem>>)
      } else {
      }
      %eq3A_22 = arith.constant 1 : i32
      %eq3A_23 = arith.cmpi eq, %arg0, %eq3A_22 : i32
      %convert_element_type3A_24 = arith.extui %eq3A_23 : i1 to i32
      %cond3A_25 = arith.constant 0 : i32
      %cond3A_26 = arith.cmpi ne, %convert_element_type3A_24, %cond3A_25 : i32
      scf.if %cond3A_26 {
        %dma_start3A = tpu.memref_slice %arg12[%mul3A_19] : memref<10000xi32, #tpu.memory_space<vmem>> -> memref<80xi32, #tpu.memory_space<vmem>>
        %dma_start3A_33 = arith.constant 0 : i32
        %dma_start3A_34 = arith.constant 0 : i32
        %dma_start3A_35 = tpu.memref_slice %arg3[%dma_start3A_33, %dma_start3A_34] : memref<10000x64xf32, #tpu.memory_space<hbm>> -> memref<10000x64xf32, #tpu.memory_space<hbm>>
        tpu.enqueue_indirect_dma source(%dma_start3A_35 : memref<10000x64xf32, #tpu.memory_space<hbm>>) target(%arg15 : memref<80x64xf32, #tpu.memory_space<vmem>>) offsets(%dma_start3A : memref<80xi32, #tpu.memory_space<vmem>>) semaphore(%arg21 : memref<!tpu.dma_semaphore, #tpu.memory_space<semaphore_mem>>)
        %dma_wait3A = tpu.memref_slice %arg12[%mul3A_19] : memref<10000xi32, #tpu.memory_space<vmem>> -> memref<80xi32, #tpu.memory_space<vmem>>
        %dma_wait3A_36 = arith.constant 0 : i32
        %dma_wait3A_37 = arith.constant 0 : i32
        %dma_wait3A_38 = tpu.memref_slice %arg3[%dma_wait3A_36, %dma_wait3A_37] : memref<10000x64xf32, #tpu.memory_space<hbm>> -> memref<10000x64xf32, #tpu.memory_space<hbm>>
        tpu.wait_indirect_dma semaphore(%arg21 : memref<!tpu.dma_semaphore, #tpu.memory_space<semaphore_mem>>) src(%dma_wait3A_38 : memref<10000x64xf32, #tpu.memory_space<hbm>>) dst(%arg15 : memref<80x64xf32, #tpu.memory_space<vmem>>)
      } else {
      }
      %scan3A_27 = arith.constant 0 : i32
      %scan3A_28 = arith.constant 0 : i32
      %scan3A_29 = arith.constant 80 : i32
      %scan3A_30 = arith.addi %scan3A_28, %scan3A_29 : i32
      %scan3A_31 = arith.constant 2 : i32
      scf.for %scan3A_33 = %scan3A_28 to %scan3A_30 step %scan3A_31  : i32 {
        %mul3A_34 = arith.constant 80 : i32
        %mul3A_35 = arith.muli %scan3A_17, %mul3A_34 : i32
        %add3A = arith.addi %mul3A_35, %scan3A_33 : i32
        %broadcast_in_dim3A = vector.broadcast %add3A : i32 to vector<16xi32>
        %gather3A = tpu.vector_load_idx %arg13[%broadcast_in_dim3A] : memref<10000xf32, #tpu.memory_space<vmem>>[vector<16xi32>], vector<16xf32>,
        %get3A = arith.index_cast %scan3A_33 : i32 to index
        %get3A_36 = arith.constant 0 : index
        %get3A_37 = tpu.vector_load %arg15[%get3A, %get3A_36] {strides = array<i32>} : memref<80x64xf32, #tpu.memory_space<vmem>>, vector<16xf32>,
        %mul3A_38 = arith.mulf %get3A_37, %gather3A : vector<16xf32>
        %swap3A = arith.index_cast %scan3A_33 : i32 to index
        %swap3A_39 = arith.constant 0 : index
        %swap3A_40 = tpu.vector_load %arg15[%swap3A, %swap3A_39] {strides = array<i32>} : memref<80x64xf32, #tpu.memory_space<vmem>>, vector<16xf32>,
        tpu.vector_store %arg15[%swap3A, %swap3A_39], %mul3A_38 {strides = array<i32>} : memref<80x64xf32, #tpu.memory_space<vmem>>, vector<16xf32>,
        %get3A_41 = arith.index_cast %scan3A_33 : i32 to index
        %get3A_42 = arith.constant 16 : index
        %get3A_43 = tpu.vector_load %arg15[%get3A_41, %get3A_42] {strides = array<i32>} : memref<80x64xf32, #tpu.memory_space<vmem>>, vector<16xf32>,
        %mul3A_44 = arith.mulf %get3A_43, %gather3A : vector<16xf32>
        %swap3A_45 = arith.index_cast %scan3A_33 : i32 to index
        %swap3A_46 = arith.constant 16 : index
        %swap3A_47 = tpu.vector_load %arg15[%swap3A_45, %swap3A_46] {strides = array<i32>} : memref<80x64xf32, #tpu.memory_space<vmem>>, vector<16xf32>,
        tpu.vector_store %arg15[%swap3A_45, %swap3A_46], %mul3A_44 {strides = array<i32>} : memref<80x64xf32, #tpu.memory_space<vmem>>, vector<16xf32>,
        %get3A_48 = arith.index_cast %scan3A_33 : i32 to index
        %get3A_49 = arith.constant 32 : index
        %get3A_50 = tpu.vector_load %arg15[%get3A_48, %get3A_49] {strides = array<i32>} : memref<80x64xf32, #tpu.memory_space<vmem>>, vector<16xf32>,
        %mul3A_51 = arith.mulf %get3A_50, %gather3A : vector<16xf32>
        %swap3A_52 = arith.index_cast %scan3A_33 : i32 to index
        %swap3A_53 = arith.constant 32 : index
        %swap3A_54 = tpu.vector_load %arg15[%swap3A_52, %swap3A_53] {strides = array<i32>} : memref<80x64xf32, #tpu.memory_space<vmem>>, vector<16xf32>,
        tpu.vector_store %arg15[%swap3A_52, %swap3A_53], %mul3A_51 {strides = array<i32>} : memref<80x64xf32, #tpu.memory_space<vmem>>, vector<16xf32>,
        %get3A_55 = arith.index_cast %scan3A_33 : i32 to index
        %get3A_56 = arith.constant 48 : index
        %get3A_57 = tpu.vector_load %arg15[%get3A_55, %get3A_56] {strides = array<i32>} : memref<80x64xf32, #tpu.memory_space<vmem>>, vector<16xf32>,
        %mul3A_58 = arith.mulf %get3A_57, %gather3A : vector<16xf32>
        %swap3A_59 = arith.index_cast %scan3A_33 : i32 to index
        %swap3A_60 = arith.constant 48 : index
        %swap3A_61 = tpu.vector_load %arg15[%swap3A_59, %swap3A_60] {strides = array<i32>} : memref<80x64xf32, #tpu.memory_space<vmem>>, vector<16xf32>,
        tpu.vector_store %arg15[%swap3A_59, %swap3A_60], %mul3A_58 {strides = array<i32>} : memref<80x64xf32, #tpu.memory_space<vmem>>, vector<16xf32>,
        %scan3A_62 = arith.constant 1 : i32
        %scan3A_63 = arith.addi %scan3A_33, %scan3A_62 : i32
        %mul3A_64 = arith.constant 80 : i32
        %mul3A_65 = arith.muli %scan3A_17, %mul3A_64 : i32
        %add3A_66 = arith.addi %mul3A_65, %scan3A_63 : i32
        %broadcast_in_dim3A_67 = vector.broadcast %add3A_66 : i32 to vector<16xi32>
        %gather3A_68 = tpu.vector_load_idx %arg13[%broadcast_in_dim3A_67] : memref<10000xf32, #tpu.memory_space<vmem>>[vector<16xi32>], vector<16xf32>,
        %get3A_69 = arith.index_cast %scan3A_63 : i32 to index
        %get3A_70 = arith.constant 0 : index
        %get3A_71 = tpu.vector_load %arg15[%get3A_69, %get3A_70] {strides = array<i32>} : memref<80x64xf32, #tpu.memory_space<vmem>>, vector<16xf32>,
        %mul3A_72 = arith.mulf %get3A_71, %gather3A_68 : vector<16xf32>
        %swap3A_73 = arith.index_cast %scan3A_63 : i32 to index
        %swap3A_74 = arith.constant 0 : index
        %swap3A_75 = tpu.vector_load %arg15[%swap3A_73, %swap3A_74] {strides = array<i32>} : memref<80x64xf32, #tpu.memory_space<vmem>>, vector<16xf32>,
        tpu.vector_store %arg15[%swap3A_73, %swap3A_74], %mul3A_72 {strides = array<i32>} : memref<80x64xf32, #tpu.memory_space<vmem>>, vector<16xf32>,
        %get3A_76 = arith.index_cast %scan3A_63 : i32 to index
        %get3A_77 = arith.constant 16 : index
        %get3A_78 = tpu.vector_load %arg15[%get3A_76, %get3A_77] {strides = array<i32>} : memref<80x64xf32, #tpu.memory_space<vmem>>, vector<16xf32>,
        %mul3A_79 = arith.mulf %get3A_78, %gather3A_68 : vector<16xf32>
        %swap3A_80 = arith.index_cast %scan3A_63 : i32 to index
        %swap3A_81 = arith.constant 16 : index
        %swap3A_82 = tpu.vector_load %arg15[%swap3A_80, %swap3A_81] {strides = array<i32>} : memref<80x64xf32, #tpu.memory_space<vmem>>, vector<16xf32>,
        tpu.vector_store %arg15[%swap3A_80, %swap3A_81], %mul3A_79 {strides = array<i32>} : memref<80x64xf32, #tpu.memory_space<vmem>>, vector<16xf32>,
        %get3A_83 = arith.index_cast %scan3A_63 : i32 to index
        %get3A_84 = arith.constant 32 : index
        %get3A_85 = tpu.vector_load %arg15[%get3A_83, %get3A_84] {strides = array<i32>} : memref<80x64xf32, #tpu.memory_space<vmem>>, vector<16xf32>,
        %mul3A_86 = arith.mulf %get3A_85, %gather3A_68 : vector<16xf32>
        %swap3A_87 = arith.index_cast %scan3A_63 : i32 to index
        %swap3A_88 = arith.constant 32 : index
        %swap3A_89 = tpu.vector_load %arg15[%swap3A_87, %swap3A_88] {strides = array<i32>} : memref<80x64xf32, #tpu.memory_space<vmem>>, vector<16xf32>,
        tpu.vector_store %arg15[%swap3A_87, %swap3A_88], %mul3A_86 {strides = array<i32>} : memref<80x64xf32, #tpu.memory_space<vmem>>, vector<16xf32>,
        %get3A_90 = arith.index_cast %scan3A_63 : i32 to index
        %get3A_91 = arith.constant 48 : index
        %get3A_92 = tpu.vector_load %arg15[%get3A_90, %get3A_91] {strides = array<i32>} : memref<80x64xf32, #tpu.memory_space<vmem>>, vector<16xf32>,
        %mul3A_93 = arith.mulf %get3A_92, %gather3A_68 : vector<16xf32>
        %swap3A_94 = arith.index_cast %scan3A_63 : i32 to index
        %swap3A_95 = arith.constant 48 : index
        %swap3A_96 = tpu.vector_load %arg15[%swap3A_94, %swap3A_95] {strides = array<i32>} : memref<80x64xf32, #tpu.memory_space<vmem>>, vector<16xf32>,
        tpu.vector_store %arg15[%swap3A_94, %swap3A_95], %mul3A_93 {strides = array<i32>} : memref<80x64xf32, #tpu.memory_space<vmem>>, vector<16xf32>,
      }
      %scan3A_32 = arith.constant 80 : i32
      "tpu.region"() ({
        %run_scoped3A = tpu.sem_alloc : memref<!tpu.dma_semaphore, #tpu.memory_space<semaphore_mem>>
        %dma_start3A = arith.constant 0 : i32
        %dma_start3A_33 = tpu.memref_slice %arg14[%scan3A_17, %dma_start3A] : memref<125x80xi32, #tpu.memory_space<vmem>> -> memref<1x80xi32, #tpu.memory_space<vmem>>
        %dma_start3A_34 = tpu.memref_squeeze %dma_start3A_33 : memref<1x80xi32, #tpu.memory_space<vmem>> -> memref<80xi32, #tpu.memory_space<vmem>>
        %dma_start3A_35 = arith.constant 0 : i32
        %dma_start3A_36 = arith.constant 0 : i32
        %dma_start3A_37 = tpu.memref_slice %arg19[%dma_start3A_35, %dma_start3A_36] : memref<10240x64xf32, #tpu.memory_space<vmem_shared>> -> memref<10240x64xf32, #tpu.memory_space<vmem_shared>>
        tpu.enqueue_indirect_dma source(%arg15 : memref<80x64xf32, #tpu.memory_space<vmem>>) target(%dma_start3A_37 : memref<10240x64xf32, #tpu.memory_space<vmem_shared>>) offsets(%dma_start3A_34 : memref<80xi32, #tpu.memory_space<vmem>>) semaphore(%run_scoped3A : memref<!tpu.dma_semaphore, #tpu.memory_space<semaphore_mem>>) {add = true}
        %dma_wait3A = arith.constant 0 : i32
        %dma_wait3A_38 = tpu.memref_slice %arg14[%scan3A_17, %dma_wait3A] : memref<125x80xi32, #tpu.memory_space<vmem>> -> memref<1x80xi32, #tpu.memory_space<vmem>>
        %dma_wait3A_39 = tpu.memref_squeeze %dma_wait3A_38 : memref<1x80xi32, #tpu.memory_space<vmem>> -> memref<80xi32, #tpu.memory_space<vmem>>
        %dma_wait3A_40 = arith.constant 0 : i32
        %dma_wait3A_41 = arith.constant 0 : i32
        %dma_wait3A_42 = tpu.memref_slice %arg19[%dma_wait3A_40, %dma_wait3A_41] : memref<10240x64xf32, #tpu.memory_space<vmem_shared>> -> memref<10240x64xf32, #tpu.memory_space<vmem_shared>>
        tpu.wait_indirect_dma semaphore(%run_scoped3A : memref<!tpu.dma_semaphore, #tpu.memory_space<semaphore_mem>>) src(%arg15 : memref<80x64xf32, #tpu.memory_space<vmem>>) dst(%dma_wait3A_42 : memref<10240x64xf32, #tpu.memory_space<vmem_shared>>)
        tpu.yield
      }) : () -> ()
      "tpu.region"() ({
        %run_scoped3A = tpu.sem_alloc : memref<!tpu.dma_semaphore, #tpu.memory_space<semaphore_mem>>
        %dma_start3A = arith.constant 0 : i32
        %dma_start3A_33 = tpu.memref_slice %arg14[%scan3A_17, %dma_start3A] : memref<125x80xi32, #tpu.memory_space<vmem>> -> memref<1x80xi32, #tpu.memory_space<vmem>>
        %dma_start3A_34 = tpu.memref_squeeze %dma_start3A_33 : memref<1x80xi32, #tpu.memory_space<vmem>> -> memref<80xi32, #tpu.memory_space<vmem>>
        %dma_start3A_35 = arith.constant 0 : i32
        %dma_start3A_36 = arith.constant 0 : i32
        %dma_start3A_37 = tpu.memref_slice %arg20[%dma_start3A_35, %dma_start3A_36] : memref<10240x16xf32, #tpu.memory_space<vmem_shared>> -> memref<10240x16xf32, #tpu.memory_space<vmem_shared>>
        tpu.enqueue_indirect_dma source(%arg16 : memref<80x16xf32, #tpu.memory_space<vmem>>) target(%dma_start3A_37 : memref<10240x16xf32, #tpu.memory_space<vmem_shared>>) offsets(%dma_start3A_34 : memref<80xi32, #tpu.memory_space<vmem>>) semaphore(%run_scoped3A : memref<!tpu.dma_semaphore, #tpu.memory_space<semaphore_mem>>) {add = true}
        %dma_wait3A = arith.constant 0 : i32
        %dma_wait3A_38 = tpu.memref_slice %arg14[%scan3A_17, %dma_wait3A] : memref<125x80xi32, #tpu.memory_space<vmem>> -> memref<1x80xi32, #tpu.memory_space<vmem>>
        %dma_wait3A_39 = tpu.memref_squeeze %dma_wait3A_38 : memref<1x80xi32, #tpu.memory_space<vmem>> -> memref<80xi32, #tpu.memory_space<vmem>>
        %dma_wait3A_40 = arith.constant 0 : i32
        %dma_wait3A_41 = arith.constant 0 : i32
        %dma_wait3A_42 = tpu.memref_slice %arg20[%dma_wait3A_40, %dma_wait3A_41] : memref<10240x16xf32, #tpu.memory_space<vmem_shared>> -> memref<10240x16xf32, #tpu.memory_space<vmem_shared>>
        tpu.wait_indirect_dma semaphore(%run_scoped3A : memref<!tpu.dma_semaphore, #tpu.memory_space<semaphore_mem>>) src(%arg16 : memref<80x16xf32, #tpu.memory_space<vmem>>) dst(%dma_wait3A_42 : memref<10240x16xf32, #tpu.memory_space<vmem_shared>>)
        tpu.yield
      }) : () -> ()
    }
    %scan3A_9 = arith.constant 125 : i32
    %barrier3A_10 = arith.constant 0 : index
    tpu.barrier barrier_id(%barrier3A_10)
    %scan3A_11 = arith.constant 0 : i32
    %scan3A_12 = arith.constant 0 : i32
    %scan3A_13 = arith.constant 5 : i32
    %scan3A_14 = arith.addi %scan3A_12, %scan3A_13 : i32
    %scan3A_15 = arith.constant 1 : i32
    scf.for %scan3A_17 = %scan3A_12 to %scan3A_14 step %scan3A_15  : i32 {
      %mul3A_18 = arith.constant 128 : i32
      %mul3A_19 = arith.muli %scan3A_17, %mul3A_18 : i32
      %add3A = arith.addi %mul3A_0, %mul3A_19 : i32
      "tpu.region"() ({
        %run_scoped3A = tpu.sem_alloc : memref<!tpu.dma_semaphore, #tpu.memory_space<semaphore_mem>>
        %dma_start3A = arith.constant 0 : i32
        %dma_start3A_33 = tpu.memref_slice %arg19[%add3A, %dma_start3A] : memref<10240x64xf32, #tpu.memory_space<vmem_shared>> -> memref<128x64xf32, #tpu.memory_space<vmem_shared>>
        %dma_start3A_34 = arith.constant 0 : i32
        %dma_start3A_35 = tpu.memref_slice %arg19[%add3A, %dma_start3A_34] : memref<10240x64xf32, #tpu.memory_space<vmem_shared>> -> memref<128x64xf32, #tpu.memory_space<vmem_shared>>
        tpu.enqueue_dma source(%dma_start3A_35 : memref<128x64xf32, #tpu.memory_space<vmem_shared>>) target(%arg17 : memref<128x64xf32, #tpu.memory_space<vmem>>) target_semaphore(%run_scoped3A : memref<!tpu.dma_semaphore, #tpu.memory_space<semaphore_mem>>)
        %dma_wait3A = arith.constant 0 : i32
        %dma_wait3A_36 = tpu.memref_slice %arg19[%add3A, %dma_wait3A] : memref<10240x64xf32, #tpu.memory_space<vmem_shared>> -> memref<128x64xf32, #tpu.memory_space<vmem_shared>>
        %dma_wait3A_37 = arith.constant 0 : i32
        %dma_wait3A_38 = tpu.memref_slice %arg19[%add3A, %dma_wait3A_37] : memref<10240x64xf32, #tpu.memory_space<vmem_shared>> -> memref<128x64xf32, #tpu.memory_space<vmem_shared>>
        tpu.wait_dma2 semaphore(%run_scoped3A : memref<!tpu.dma_semaphore, #tpu.memory_space<semaphore_mem>>) src(%dma_wait3A_38 : memref<128x64xf32, #tpu.memory_space<vmem_shared>>) dst(%arg17 : memref<128x64xf32, #tpu.memory_space<vmem>>)
        tpu.yield
      }) : () -> ()
      "tpu.region"() ({
        %run_scoped3A = tpu.sem_alloc : memref<!tpu.dma_semaphore, #tpu.memory_space<semaphore_mem>>
        %dma_start3A = arith.constant 0 : i32
        %dma_start3A_33 = tpu.memref_slice %arg20[%add3A, %dma_start3A] : memref<10240x16xf32, #tpu.memory_space<vmem_shared>> -> memref<128x16xf32, #tpu.memory_space<vmem_shared>>
        %dma_start3A_34 = arith.constant 0 : i32
        %dma_start3A_35 = tpu.memref_slice %arg20[%add3A, %dma_start3A_34] : memref<10240x16xf32, #tpu.memory_space<vmem_shared>> -> memref<128x16xf32, #tpu.memory_space<vmem_shared>>
        tpu.enqueue_dma source(%dma_start3A_35 : memref<128x16xf32, #tpu.memory_space<vmem_shared>>) target(%arg18 : memref<128x16xf32, #tpu.memory_space<vmem>>) target_semaphore(%run_scoped3A : memref<!tpu.dma_semaphore, #tpu.memory_space<semaphore_mem>>)
        %dma_wait3A = arith.constant 0 : i32
        %dma_wait3A_36 = tpu.memref_slice %arg20[%add3A, %dma_wait3A] : memref<10240x16xf32, #tpu.memory_space<vmem_shared>> -> memref<128x16xf32, #tpu.memory_space<vmem_shared>>
        %dma_wait3A_37 = arith.constant 0 : i32
        %dma_wait3A_38 = tpu.memref_slice %arg20[%add3A, %dma_wait3A_37] : memref<10240x16xf32, #tpu.memory_space<vmem_shared>> -> memref<128x16xf32, #tpu.memory_space<vmem_shared>>
        tpu.wait_dma2 semaphore(%run_scoped3A : memref<!tpu.dma_semaphore, #tpu.memory_space<semaphore_mem>>) src(%dma_wait3A_38 : memref<128x16xf32, #tpu.memory_space<vmem_shared>>) dst(%arg18 : memref<128x16xf32, #tpu.memory_space<vmem>>)
        tpu.yield
      }) : () -> ()
      %scan3A_20 = arith.constant 0 : i32
      %scan3A_21 = arith.constant 0 : i32
      %scan3A_22 = arith.constant 128 : i32
      %scan3A_23 = arith.addi %scan3A_21, %scan3A_22 : i32
      %scan3A_24 = arith.constant 2 : i32
      scf.for %scan3A_33 = %scan3A_21 to %scan3A_23 step %scan3A_24  : i32 {
        %get3A = arith.index_cast %scan3A_33 : i32 to index
        %get3A_34 = arith.constant 0 : index
        %get3A_35 = tpu.vector_load %arg18[%get3A, %get3A_34] {strides = array<i32>} : memref<128x16xf32, #tpu.memory_space<vmem>>, vector<16xf32>,
        %max3A = arith.constant 1.000000e+00 : f32
        %max3A_36 = vector.broadcast %max3A : f32 to vector<16xf32>
        %max3A_37 = arith.maximumf %get3A_35, %max3A_36 : vector<16xf32>
        %div3A = arith.constant 1.000000e+00 : f32
        %div3A_38 = vector.broadcast %div3A : f32 to vector<16xf32>
        %div3A_39 = arith.divf %div3A_38, %max3A_37 : vector<16xf32>
        %get3A_40 = arith.index_cast %scan3A_33 : i32 to index
        %get3A_41 = arith.constant 0 : index
        %get3A_42 = tpu.vector_load %arg17[%get3A_40, %get3A_41] {strides = array<i32>} : memref<128x64xf32, #tpu.memory_space<vmem>>, vector<16xf32>,
        %mul3A_43 = arith.mulf %get3A_42, %div3A_39 : vector<16xf32>
        %swap3A = arith.index_cast %scan3A_33 : i32 to index
        %swap3A_44 = arith.constant 0 : index
        %swap3A_45 = tpu.vector_load %arg17[%swap3A, %swap3A_44] {strides = array<i32>} : memref<128x64xf32, #tpu.memory_space<vmem>>, vector<16xf32>,
        tpu.vector_store %arg17[%swap3A, %swap3A_44], %mul3A_43 {strides = array<i32>} : memref<128x64xf32, #tpu.memory_space<vmem>>, vector<16xf32>,
        %get3A_46 = arith.index_cast %scan3A_33 : i32 to index
        %get3A_47 = arith.constant 16 : index
        %get3A_48 = tpu.vector_load %arg17[%get3A_46, %get3A_47] {strides = array<i32>} : memref<128x64xf32, #tpu.memory_space<vmem>>, vector<16xf32>,
        %mul3A_49 = arith.mulf %get3A_48, %div3A_39 : vector<16xf32>
        %swap3A_50 = arith.index_cast %scan3A_33 : i32 to index
        %swap3A_51 = arith.constant 16 : index
        %swap3A_52 = tpu.vector_load %arg17[%swap3A_50, %swap3A_51] {strides = array<i32>} : memref<128x64xf32, #tpu.memory_space<vmem>>, vector<16xf32>,
        tpu.vector_store %arg17[%swap3A_50, %swap3A_51], %mul3A_49 {strides = array<i32>} : memref<128x64xf32, #tpu.memory_space<vmem>>, vector<16xf32>,
        %get3A_53 = arith.index_cast %scan3A_33 : i32 to index
        %get3A_54 = arith.constant 32 : index
        %get3A_55 = tpu.vector_load %arg17[%get3A_53, %get3A_54] {strides = array<i32>} : memref<128x64xf32, #tpu.memory_space<vmem>>, vector<16xf32>,
        %mul3A_56 = arith.mulf %get3A_55, %div3A_39 : vector<16xf32>
        %swap3A_57 = arith.index_cast %scan3A_33 : i32 to index
        %swap3A_58 = arith.constant 32 : index
        %swap3A_59 = tpu.vector_load %arg17[%swap3A_57, %swap3A_58] {strides = array<i32>} : memref<128x64xf32, #tpu.memory_space<vmem>>, vector<16xf32>,
        tpu.vector_store %arg17[%swap3A_57, %swap3A_58], %mul3A_56 {strides = array<i32>} : memref<128x64xf32, #tpu.memory_space<vmem>>, vector<16xf32>,
        %get3A_60 = arith.index_cast %scan3A_33 : i32 to index
        %get3A_61 = arith.constant 48 : index
        %get3A_62 = tpu.vector_load %arg17[%get3A_60, %get3A_61] {strides = array<i32>} : memref<128x64xf32, #tpu.memory_space<vmem>>, vector<16xf32>,
        %mul3A_63 = arith.mulf %get3A_62, %div3A_39 : vector<16xf32>
        %swap3A_64 = arith.index_cast %scan3A_33 : i32 to index
        %swap3A_65 = arith.constant 48 : index
        %swap3A_66 = tpu.vector_load %arg17[%swap3A_64, %swap3A_65] {strides = array<i32>} : memref<128x64xf32, #tpu.memory_space<vmem>>, vector<16xf32>,
        tpu.vector_store %arg17[%swap3A_64, %swap3A_65], %mul3A_63 {strides = array<i32>} : memref<128x64xf32, #tpu.memory_space<vmem>>, vector<16xf32>,
        %scan3A_67 = arith.constant 1 : i32
        %scan3A_68 = arith.addi %scan3A_33, %scan3A_67 : i32
        %get3A_69 = arith.index_cast %scan3A_68 : i32 to index
        %get3A_70 = arith.constant 0 : index
        %get3A_71 = tpu.vector_load %arg18[%get3A_69, %get3A_70] {strides = array<i32>} : memref<128x16xf32, #tpu.memory_space<vmem>>, vector<16xf32>,
        %max3A_72 = arith.constant 1.000000e+00 : f32
        %max3A_73 = vector.broadcast %max3A_72 : f32 to vector<16xf32>
        %max3A_74 = arith.maximumf %get3A_71, %max3A_73 : vector<16xf32>
        %div3A_75 = arith.constant 1.000000e+00 : f32
        %div3A_76 = vector.broadcast %div3A_75 : f32 to vector<16xf32>
        %div3A_77 = arith.divf %div3A_76, %max3A_74 : vector<16xf32>
        %get3A_78 = arith.index_cast %scan3A_68 : i32 to index
        %get3A_79 = arith.constant 0 : index
        %get3A_80 = tpu.vector_load %arg17[%get3A_78, %get3A_79] {strides = array<i32>} : memref<128x64xf32, #tpu.memory_space<vmem>>, vector<16xf32>,
        %mul3A_81 = arith.mulf %get3A_80, %div3A_77 : vector<16xf32>
        %swap3A_82 = arith.index_cast %scan3A_68 : i32 to index
        %swap3A_83 = arith.constant 0 : index
        %swap3A_84 = tpu.vector_load %arg17[%swap3A_82, %swap3A_83] {strides = array<i32>} : memref<128x64xf32, #tpu.memory_space<vmem>>, vector<16xf32>,
        tpu.vector_store %arg17[%swap3A_82, %swap3A_83], %mul3A_81 {strides = array<i32>} : memref<128x64xf32, #tpu.memory_space<vmem>>, vector<16xf32>,
        %get3A_85 = arith.index_cast %scan3A_68 : i32 to index
        %get3A_86 = arith.constant 16 : index
        %get3A_87 = tpu.vector_load %arg17[%get3A_85, %get3A_86] {strides = array<i32>} : memref<128x64xf32, #tpu.memory_space<vmem>>, vector<16xf32>,
        %mul3A_88 = arith.mulf %get3A_87, %div3A_77 : vector<16xf32>
        %swap3A_89 = arith.index_cast %scan3A_68 : i32 to index
        %swap3A_90 = arith.constant 16 : index
        %swap3A_91 = tpu.vector_load %arg17[%swap3A_89, %swap3A_90] {strides = array<i32>} : memref<128x64xf32, #tpu.memory_space<vmem>>, vector<16xf32>,
        tpu.vector_store %arg17[%swap3A_89, %swap3A_90], %mul3A_88 {strides = array<i32>} : memref<128x64xf32, #tpu.memory_space<vmem>>, vector<16xf32>,
        %get3A_92 = arith.index_cast %scan3A_68 : i32 to index
        %get3A_93 = arith.constant 32 : index
        %get3A_94 = tpu.vector_load %arg17[%get3A_92, %get3A_93] {strides = array<i32>} : memref<128x64xf32, #tpu.memory_space<vmem>>, vector<16xf32>,
        %mul3A_95 = arith.mulf %get3A_94, %div3A_77 : vector<16xf32>
        %swap3A_96 = arith.index_cast %scan3A_68 : i32 to index
        %swap3A_97 = arith.constant 32 : index
        %swap3A_98 = tpu.vector_load %arg17[%swap3A_96, %swap3A_97] {strides = array<i32>} : memref<128x64xf32, #tpu.memory_space<vmem>>, vector<16xf32>,
        tpu.vector_store %arg17[%swap3A_96, %swap3A_97], %mul3A_95 {strides = array<i32>} : memref<128x64xf32, #tpu.memory_space<vmem>>, vector<16xf32>,
        %get3A_99 = arith.index_cast %scan3A_68 : i32 to index
        %get3A_100 = arith.constant 48 : index
        %get3A_101 = tpu.vector_load %arg17[%get3A_99, %get3A_100] {strides = array<i32>} : memref<128x64xf32, #tpu.memory_space<vmem>>, vector<16xf32>,
        %mul3A_102 = arith.mulf %get3A_101, %div3A_77 : vector<16xf32>
        %swap3A_103 = arith.index_cast %scan3A_68 : i32 to index
        %swap3A_104 = arith.constant 48 : index
        %swap3A_105 = tpu.vector_load %arg17[%swap3A_103, %swap3A_104] {strides = array<i32>} : memref<128x64xf32, #tpu.memory_space<vmem>>, vector<16xf32>,
        tpu.vector_store %arg17[%swap3A_103, %swap3A_104], %mul3A_102 {strides = array<i32>} : memref<128x64xf32, #tpu.memory_space<vmem>>, vector<16xf32>,
      }
      %scan3A_25 = arith.constant 128 : i32
      %eq3A = arith.constant 0 : i32
      %eq3A_26 = arith.cmpi eq, %arg0, %eq3A : i32
      %convert_element_type3A = arith.extui %eq3A_26 : i1 to i32
      %cond3A = arith.constant 0 : i32
      %cond3A_27 = arith.cmpi ne, %convert_element_type3A, %cond3A : i32
      scf.if %cond3A_27 {
        "tpu.region"() ({
          %run_scoped3A = tpu.sem_alloc : memref<!tpu.dma_semaphore, #tpu.memory_space<semaphore_mem>>
          %dma_start3A = arith.constant 0 : i32
          %dma_start3A_33 = tpu.memref_slice %arg10[%add3A, %dma_start3A] : memref<10240x64xf32, #tpu.memory_space<hbm>> -> memref<128x64xf32, #tpu.memory_space<hbm>>
          %dma_start3A_34 = arith.constant 0 : i32
          %dma_start3A_35 = tpu.memref_slice %arg10[%add3A, %dma_start3A_34] : memref<10240x64xf32, #tpu.memory_space<hbm>> -> memref<128x64xf32, #tpu.memory_space<hbm>>
          tpu.enqueue_dma source(%arg17 : memref<128x64xf32, #tpu.memory_space<vmem>>) target(%dma_start3A_35 : memref<128x64xf32, #tpu.memory_space<hbm>>) target_semaphore(%run_scoped3A : memref<!tpu.dma_semaphore, #tpu.memory_space<semaphore_mem>>)
          %dma_wait3A = arith.constant 0 : i32
          %dma_wait3A_36 = tpu.memref_slice %arg10[%add3A, %dma_wait3A] : memref<10240x64xf32, #tpu.memory_space<hbm>> -> memref<128x64xf32, #tpu.memory_space<hbm>>
          %dma_wait3A_37 = arith.constant 0 : i32
          %dma_wait3A_38 = tpu.memref_slice %arg10[%add3A, %dma_wait3A_37] : memref<10240x64xf32, #tpu.memory_space<hbm>> -> memref<128x64xf32, #tpu.memory_space<hbm>>
          tpu.wait_dma2 semaphore(%run_scoped3A : memref<!tpu.dma_semaphore, #tpu.memory_space<semaphore_mem>>) src(%arg17 : memref<128x64xf32, #tpu.memory_space<vmem>>) dst(%dma_wait3A_38 : memref<128x64xf32, #tpu.memory_space<hbm>>)
          tpu.yield
        }) : () -> ()
      } else {
      }
      %eq3A_28 = arith.constant 1 : i32
      %eq3A_29 = arith.cmpi eq, %arg0, %eq3A_28 : i32
      %convert_element_type3A_30 = arith.extui %eq3A_29 : i1 to i32
      %cond3A_31 = arith.constant 0 : i32
      %cond3A_32 = arith.cmpi ne, %convert_element_type3A_30, %cond3A_31 : i32
      scf.if %cond3A_32 {
        "tpu.region"() ({
          %run_scoped3A = tpu.sem_alloc : memref<!tpu.dma_semaphore, #tpu.memory_space<semaphore_mem>>
          %dma_start3A = arith.constant 0 : i32
          %dma_start3A_33 = tpu.memref_slice %arg11[%add3A, %dma_start3A] : memref<10240x64xf32, #tpu.memory_space<hbm>> -> memref<128x64xf32, #tpu.memory_space<hbm>>
          %dma_start3A_34 = arith.constant 0 : i32
          %dma_start3A_35 = tpu.memref_slice %arg11[%add3A, %dma_start3A_34] : memref<10240x64xf32, #tpu.memory_space<hbm>> -> memref<128x64xf32, #tpu.memory_space<hbm>>
          tpu.enqueue_dma source(%arg17 : memref<128x64xf32, #tpu.memory_space<vmem>>) target(%dma_start3A_35 : memref<128x64xf32, #tpu.memory_space<hbm>>) target_semaphore(%run_scoped3A : memref<!tpu.dma_semaphore, #tpu.memory_space<semaphore_mem>>)
          %dma_wait3A = arith.constant 0 : i32
          %dma_wait3A_36 = tpu.memref_slice %arg11[%add3A, %dma_wait3A] : memref<10240x64xf32, #tpu.memory_space<hbm>> -> memref<128x64xf32, #tpu.memory_space<hbm>>
          %dma_wait3A_37 = arith.constant 0 : i32
          %dma_wait3A_38 = tpu.memref_slice %arg11[%add3A, %dma_wait3A_37] : memref<10240x64xf32, #tpu.memory_space<hbm>> -> memref<128x64xf32, #tpu.memory_space<hbm>>
          tpu.wait_dma2 semaphore(%run_scoped3A : memref<!tpu.dma_semaphore, #tpu.memory_space<semaphore_mem>>) src(%arg17 : memref<128x64xf32, #tpu.memory_space<vmem>>) dst(%dma_wait3A_38 : memref<128x64xf32, #tpu.memory_space<hbm>>)
          tpu.yield
        }) : () -> ()
      } else {
      }
    }
    %scan3A_16 = arith.constant 5 : i32
    return
  }
}

#map = affine_map<(d0, d1) -> (0, 0)>
#map1 = affine_map<(d0, d1) -> (0)>
#map2 = affine_map<(d0, d1) -> (0, 0, 0)>
module attributes {stable_mosaic.version = 14 : i64} {
  func.func @_sc_body(%arg0: i32, %arg1: i32, %arg2: memref<10000x64xf32, #tpu.memory_space<hbm>>, %arg3: memref<10000x64xf32, #tpu.memory_space<hbm>>, %arg4: memref<160000xi32, #tpu.memory_space<hbm>>, %arg5: memref<16x125x80xi32, #tpu.memory_space<hbm>>, %arg6: memref<160000xf32, #tpu.memory_space<hbm>>, %arg7: memref<640x64xf32, #tpu.memory_space<hbm>>, %arg8: memref<640x16xf32, #tpu.memory_space<hbm>>, %arg9: memref<80x16xf32, #tpu.memory_space<hbm>>, %arg10: memref<10240x64xf32, #tpu.memory_space<hbm>>, %arg11: memref<10240x64xf32, #tpu.memory_space<hbm>>, %arg12: memref<10000xi32, #tpu.memory_space<vmem>>, %arg13: memref<10000xf32, #tpu.memory_space<vmem>>, %arg14: memref<125x80xi32, #tpu.memory_space<vmem>>, %arg15: memref<80x64xf32, #tpu.memory_space<vmem>>, %arg16: memref<80x16xf32, #tpu.memory_space<vmem>>, %arg17: memref<128x64xf32, #tpu.memory_space<vmem>>, %arg18: memref<128x16xf32, #tpu.memory_space<vmem>>, %arg19: memref<10240x64xf32, #tpu.memory_space<vmem_shared>>, %arg20: memref<10240x16xf32, #tpu.memory_space<vmem_shared>>, %arg21: memref<!tpu.dma_semaphore, #tpu.memory_space<semaphore_mem>>) attributes {dimension_semantics = [#tpu.dimension_semantics<core_parallel>, #tpu.dimension_semantics<subcore_parallel>], iteration_bounds = array<i64: 2, 16>, scalar_prefetch = 0 : i64, scratch_operands = 10 : i64, tpu.core_type = #tpu.core_type<sc_vector_subcore>, window_params = [{transform_indices = #map}, {transform_indices = #map}, {transform_indices = #map1}, {transform_indices = #map2}, {transform_indices = #map1}, {transform_indices = #map}, {transform_indices = #map}, {transform_indices = #map}, {transform_indices = #map}, {transform_indices = #map}]} {
    %mul3A = arith.constant 640 : i32
    %mul3A_0 = arith.muli %arg1, %mul3A : i32
    "tpu.region"() ({
      %run_scoped3A = tpu.sem_alloc : memref<!tpu.dma_semaphore, #tpu.memory_space<semaphore_mem>>
      %dma_start3A = arith.constant 0 : i32
      %dma_start3A_17 = tpu.memref_slice %arg19[%mul3A_0, %dma_start3A] : memref<10240x64xf32, #tpu.memory_space<vmem_shared>> -> memref<640x64xf32, #tpu.memory_space<vmem_shared>>
      tpu.enqueue_dma source(%arg7 : memref<640x64xf32, #tpu.memory_space<hbm>>) target(%dma_start3A_17 : memref<640x64xf32, #tpu.memory_space<vmem_shared>>) target_semaphore(%run_scoped3A : memref<!tpu.dma_semaphore, #tpu.memory_space<semaphore_mem>>)
      %dma_wait3A = arith.constant 0 : i32
      %dma_wait3A_18 = tpu.memref_slice %arg19[%mul3A_0, %dma_wait3A] : memref<10240x64xf32, #tpu.memory_space<vmem_shared>> -> memref<640x64xf32, #tpu.memory_space<vmem_shared>>
      tpu.wait_dma2 semaphore(%run_scoped3A : memref<!tpu.dma_semaphore, #tpu.memory_space<semaphore_mem>>) src(%arg7 : memref<640x64xf32, #tpu.memory_space<hbm>>) dst(%dma_wait3A_18 : memref<640x64xf32, #tpu.memory_space<vmem_shared>>)
      tpu.yield
    }) : () -> ()
    "tpu.region"() ({
      %run_scoped3A = tpu.sem_alloc : memref<!tpu.dma_semaphore, #tpu.memory_space<semaphore_mem>>
      %dma_start3A = arith.constant 0 : i32
      %dma_start3A_17 = tpu.memref_slice %arg20[%mul3A_0, %dma_start3A] : memref<10240x16xf32, #tpu.memory_space<vmem_shared>> -> memref<640x16xf32, #tpu.memory_space<vmem_shared>>
      tpu.enqueue_dma source(%arg8 : memref<640x16xf32, #tpu.memory_space<hbm>>) target(%dma_start3A_17 : memref<640x16xf32, #tpu.memory_space<vmem_shared>>) target_semaphore(%run_scoped3A : memref<!tpu.dma_semaphore, #tpu.memory_space<semaphore_mem>>)
      %dma_wait3A = arith.constant 0 : i32
      %dma_wait3A_18 = tpu.memref_slice %arg20[%mul3A_0, %dma_wait3A] : memref<10240x16xf32, #tpu.memory_space<vmem_shared>> -> memref<640x16xf32, #tpu.memory_space<vmem_shared>>
      tpu.wait_dma2 semaphore(%run_scoped3A : memref<!tpu.dma_semaphore, #tpu.memory_space<semaphore_mem>>) src(%arg8 : memref<640x16xf32, #tpu.memory_space<hbm>>) dst(%dma_wait3A_18 : memref<640x16xf32, #tpu.memory_space<vmem_shared>>)
      tpu.yield
    }) : () -> ()
    %mul3A_1 = arith.constant 10000 : i32
    %mul3A_2 = arith.muli %arg1, %mul3A_1 : i32
    "tpu.region"() ({
      %run_scoped3A = tpu.sem_alloc : memref<!tpu.dma_semaphore, #tpu.memory_space<semaphore_mem>>
      %dma_start3A = tpu.memref_slice %arg4[%mul3A_2] : memref<160000xi32, #tpu.memory_space<hbm>> -> memref<10000xi32, #tpu.memory_space<hbm>>
      %dma_start3A_17 = tpu.memref_slice %arg4[%mul3A_2] : memref<160000xi32, #tpu.memory_space<hbm>> -> memref<10000xi32, #tpu.memory_space<hbm>>
      tpu.enqueue_dma source(%dma_start3A_17 : memref<10000xi32, #tpu.memory_space<hbm>>) target(%arg12 : memref<10000xi32, #tpu.memory_space<vmem>>) target_semaphore(%run_scoped3A : memref<!tpu.dma_semaphore, #tpu.memory_space<semaphore_mem>>)
      %dma_wait3A = tpu.memref_slice %arg4[%mul3A_2] : memref<160000xi32, #tpu.memory_space<hbm>> -> memref<10000xi32, #tpu.memory_space<hbm>>
      %dma_wait3A_18 = tpu.memref_slice %arg4[%mul3A_2] : memref<160000xi32, #tpu.memory_space<hbm>> -> memref<10000xi32, #tpu.memory_space<hbm>>
      tpu.wait_dma2 semaphore(%run_scoped3A : memref<!tpu.dma_semaphore, #tpu.memory_space<semaphore_mem>>) src(%dma_wait3A_18 : memref<10000xi32, #tpu.memory_space<hbm>>) dst(%arg12 : memref<10000xi32, #tpu.memory_space<vmem>>)
      tpu.yield
    }) : () -> ()
    %mul3A_3 = arith.constant 10000 : i32
    %mul3A_4 = arith.muli %arg1, %mul3A_3 : i32
    "tpu.region"() ({
      %run_scoped3A = tpu.sem_alloc : memref<!tpu.dma_semaphore, #tpu.memory_space<semaphore_mem>>
      %dma_start3A = tpu.memref_slice %arg6[%mul3A_4] : memref<160000xf32, #tpu.memory_space<hbm>> -> memref<10000xf32, #tpu.memory_space<hbm>>
      %dma_start3A_17 = tpu.memref_slice %arg6[%mul3A_4] : memref<160000xf32, #tpu.memory_space<hbm>> -> memref<10000xf32, #tpu.memory_space<hbm>>
      tpu.enqueue_dma source(%dma_start3A_17 : memref<10000xf32, #tpu.memory_space<hbm>>) target(%arg13 : memref<10000xf32, #tpu.memory_space<vmem>>) target_semaphore(%run_scoped3A : memref<!tpu.dma_semaphore, #tpu.memory_space<semaphore_mem>>)
      %dma_wait3A = tpu.memref_slice %arg6[%mul3A_4] : memref<160000xf32, #tpu.memory_space<hbm>> -> memref<10000xf32, #tpu.memory_space<hbm>>
      %dma_wait3A_18 = tpu.memref_slice %arg6[%mul3A_4] : memref<160000xf32, #tpu.memory_space<hbm>> -> memref<10000xf32, #tpu.memory_space<hbm>>
      tpu.wait_dma2 semaphore(%run_scoped3A : memref<!tpu.dma_semaphore, #tpu.memory_space<semaphore_mem>>) src(%dma_wait3A_18 : memref<10000xf32, #tpu.memory_space<hbm>>) dst(%arg13 : memref<10000xf32, #tpu.memory_space<vmem>>)
      tpu.yield
    }) : () -> ()
    "tpu.region"() ({
      %run_scoped3A = tpu.sem_alloc : memref<!tpu.dma_semaphore, #tpu.memory_space<semaphore_mem>>
      %dma_start3A = arith.constant 0 : i32
      %dma_start3A_17 = arith.constant 0 : i32
      %dma_start3A_18 = tpu.memref_slice %arg5[%arg1, %dma_start3A, %dma_start3A_17] : memref<16x125x80xi32, #tpu.memory_space<hbm>> -> memref<1x125x80xi32, #tpu.memory_space<hbm>>
      %dma_start3A_19 = tpu.memref_squeeze %dma_start3A_18 : memref<1x125x80xi32, #tpu.memory_space<hbm>> -> memref<125x80xi32, #tpu.memory_space<hbm>>
      %dma_start3A_20 = arith.constant 0 : i32
      %dma_start3A_21 = arith.constant 0 : i32
      %dma_start3A_22 = tpu.memref_slice %arg5[%arg1, %dma_start3A_20, %dma_start3A_21] : memref<16x125x80xi32, #tpu.memory_space<hbm>> -> memref<1x125x80xi32, #tpu.memory_space<hbm>>
      %dma_start3A_23 = tpu.memref_squeeze %dma_start3A_22 : memref<1x125x80xi32, #tpu.memory_space<hbm>> -> memref<125x80xi32, #tpu.memory_space<hbm>>
      tpu.enqueue_dma source(%dma_start3A_23 : memref<125x80xi32, #tpu.memory_space<hbm>>) target(%arg14 : memref<125x80xi32, #tpu.memory_space<vmem>>) target_semaphore(%run_scoped3A : memref<!tpu.dma_semaphore, #tpu.memory_space<semaphore_mem>>)
      %dma_wait3A = arith.constant 0 : i32
      %dma_wait3A_24 = arith.constant 0 : i32
      %dma_wait3A_25 = tpu.memref_slice %arg5[%arg1, %dma_wait3A, %dma_wait3A_24] : memref<16x125x80xi32, #tpu.memory_space<hbm>> -> memref<1x125x80xi32, #tpu.memory_space<hbm>>
      %dma_wait3A_26 = tpu.memref_squeeze %dma_wait3A_25 : memref<1x125x80xi32, #tpu.memory_space<hbm>> -> memref<125x80xi32, #tpu.memory_space<hbm>>
      %dma_wait3A_27 = arith.constant 0 : i32
      %dma_wait3A_28 = arith.constant 0 : i32
      %dma_wait3A_29 = tpu.memref_slice %arg5[%arg1, %dma_wait3A_27, %dma_wait3A_28] : memref<16x125x80xi32, #tpu.memory_space<hbm>> -> memref<1x125x80xi32, #tpu.memory_space<hbm>>
      %dma_wait3A_30 = tpu.memref_squeeze %dma_wait3A_29 : memref<1x125x80xi32, #tpu.memory_space<hbm>> -> memref<125x80xi32, #tpu.memory_space<hbm>>
      tpu.wait_dma2 semaphore(%run_scoped3A : memref<!tpu.dma_semaphore, #tpu.memory_space<semaphore_mem>>) src(%dma_wait3A_30 : memref<125x80xi32, #tpu.memory_space<hbm>>) dst(%arg14 : memref<125x80xi32, #tpu.memory_space<vmem>>)
      tpu.yield
    }) : () -> ()
    "tpu.region"() ({
      %run_scoped3A = tpu.sem_alloc : memref<!tpu.dma_semaphore, #tpu.memory_space<semaphore_mem>>
      tpu.enqueue_dma source(%arg9 : memref<80x16xf32, #tpu.memory_space<hbm>>) target(%arg16 : memref<80x16xf32, #tpu.memory_space<vmem>>) target_semaphore(%run_scoped3A : memref<!tpu.dma_semaphore, #tpu.memory_space<semaphore_mem>>)
      tpu.wait_dma2 semaphore(%run_scoped3A : memref<!tpu.dma_semaphore, #tpu.memory_space<semaphore_mem>>) src(%arg9 : memref<80x16xf32, #tpu.memory_space<hbm>>) dst(%arg16 : memref<80x16xf32, #tpu.memory_space<vmem>>)
      tpu.yield
    }) : () -> ()
    %barrier3A = arith.constant 0 : index
    tpu.barrier barrier_id(%barrier3A)
    %scan3A = arith.constant 0 : i32
    %scan3A_5 = arith.constant 0 : i32
    %scan3A_6 = arith.constant 125 : i32
    %scan3A_7 = arith.addi %scan3A_5, %scan3A_6 : i32
    %scan3A_8 = arith.constant 1 : i32
    scf.for %scan3A_17 = %scan3A_5 to %scan3A_7 step %scan3A_8  : i32 {
      %mul3A_18 = arith.constant 80 : i32
      %mul3A_19 = arith.muli %scan3A_17, %mul3A_18 : i32
      %eq3A = arith.constant 0 : i32
      %eq3A_20 = arith.cmpi eq, %arg0, %eq3A : i32
      %convert_element_type3A = arith.extui %eq3A_20 : i1 to i32
      %cond3A = arith.constant 0 : i32
      %cond3A_21 = arith.cmpi ne, %convert_element_type3A, %cond3A : i32
      scf.if %cond3A_21 {
        %dma_start3A = tpu.memref_slice %arg12[%mul3A_19] : memref<10000xi32, #tpu.memory_space<vmem>> -> memref<80xi32, #tpu.memory_space<vmem>>
        %dma_start3A_33 = arith.constant 0 : i32
        %dma_start3A_34 = arith.constant 0 : i32
        %dma_start3A_35 = tpu.memref_slice %arg2[%dma_start3A_33, %dma_start3A_34] : memref<10000x64xf32, #tpu.memory_space<hbm>> -> memref<10000x64xf32, #tpu.memory_space<hbm>>
        tpu.enqueue_indirect_dma source(%dma_start3A_35 : memref<10000x64xf32, #tpu.memory_space<hbm>>) target(%arg15 : memref<80x64xf32, #tpu.memory_space<vmem>>) offsets(%dma_start3A : memref<80xi32, #tpu.memory_space<vmem>>) semaphore(%arg21 : memref<!tpu.dma_semaphore, #tpu.memory_space<semaphore_mem>>)
        %dma_wait3A = tpu.memref_slice %arg12[%mul3A_19] : memref<10000xi32, #tpu.memory_space<vmem>> -> memref<80xi32, #tpu.memory_space<vmem>>
        %dma_wait3A_36 = arith.constant 0 : i32
        %dma_wait3A_37 = arith.constant 0 : i32
        %dma_wait3A_38 = tpu.memref_slice %arg2[%dma_wait3A_36, %dma_wait3A_37] : memref<10000x64xf32, #tpu.memory_space<hbm>> -> memref<10000x64xf32, #tpu.memory_space<hbm>>
        tpu.wait_indirect_dma semaphore(%arg21 : memref<!tpu.dma_semaphore, #tpu.memory_space<semaphore_mem>>) src(%dma_wait3A_38 : memref<10000x64xf32, #tpu.memory_space<hbm>>) dst(%arg15 : memref<80x64xf32, #tpu.memory_space<vmem>>)
      } else {
      }
      %eq3A_22 = arith.constant 1 : i32
      %eq3A_23 = arith.cmpi eq, %arg0, %eq3A_22 : i32
      %convert_element_type3A_24 = arith.extui %eq3A_23 : i1 to i32
      %cond3A_25 = arith.constant 0 : i32
      %cond3A_26 = arith.cmpi ne, %convert_element_type3A_24, %cond3A_25 : i32
      scf.if %cond3A_26 {
        %dma_start3A = tpu.memref_slice %arg12[%mul3A_19] : memref<10000xi32, #tpu.memory_space<vmem>> -> memref<80xi32, #tpu.memory_space<vmem>>
        %dma_start3A_33 = arith.constant 0 : i32
        %dma_start3A_34 = arith.constant 0 : i32
        %dma_start3A_35 = tpu.memref_slice %arg3[%dma_start3A_33, %dma_start3A_34] : memref<10000x64xf32, #tpu.memory_space<hbm>> -> memref<10000x64xf32, #tpu.memory_space<hbm>>
        tpu.enqueue_indirect_dma source(%dma_start3A_35 : memref<10000x64xf32, #tpu.memory_space<hbm>>) target(%arg15 : memref<80x64xf32, #tpu.memory_space<vmem>>) offsets(%dma_start3A : memref<80xi32, #tpu.memory_space<vmem>>) semaphore(%arg21 : memref<!tpu.dma_semaphore, #tpu.memory_space<semaphore_mem>>)
        %dma_wait3A = tpu.memref_slice %arg12[%mul3A_19] : memref<10000xi32, #tpu.memory_space<vmem>> -> memref<80xi32, #tpu.memory_space<vmem>>
        %dma_wait3A_36 = arith.constant 0 : i32
        %dma_wait3A_37 = arith.constant 0 : i32
        %dma_wait3A_38 = tpu.memref_slice %arg3[%dma_wait3A_36, %dma_wait3A_37] : memref<10000x64xf32, #tpu.memory_space<hbm>> -> memref<10000x64xf32, #tpu.memory_space<hbm>>
        tpu.wait_indirect_dma semaphore(%arg21 : memref<!tpu.dma_semaphore, #tpu.memory_space<semaphore_mem>>) src(%dma_wait3A_38 : memref<10000x64xf32, #tpu.memory_space<hbm>>) dst(%arg15 : memref<80x64xf32, #tpu.memory_space<vmem>>)
      } else {
      }
      %scan3A_27 = arith.constant 0 : i32
      %scan3A_28 = arith.constant 0 : i32
      %scan3A_29 = arith.constant 80 : i32
      %scan3A_30 = arith.addi %scan3A_28, %scan3A_29 : i32
      %scan3A_31 = arith.constant 2 : i32
      scf.for %scan3A_33 = %scan3A_28 to %scan3A_30 step %scan3A_31  : i32 {
        %mul3A_34 = arith.constant 80 : i32
        %mul3A_35 = arith.muli %scan3A_17, %mul3A_34 : i32
        %add3A = arith.addi %mul3A_35, %scan3A_33 : i32
        %broadcast_in_dim3A = vector.broadcast %add3A : i32 to vector<16xi32>
        %gather3A = tpu.vector_load_idx %arg13[%broadcast_in_dim3A] : memref<10000xf32, #tpu.memory_space<vmem>>[vector<16xi32>], vector<16xf32>,
        %get3A = arith.index_cast %scan3A_33 : i32 to index
        %get3A_36 = arith.constant 0 : index
        %get3A_37 = tpu.vector_load %arg15[%get3A, %get3A_36] {strides = array<i32>} : memref<80x64xf32, #tpu.memory_space<vmem>>, vector<16xf32>,
        %mul3A_38 = arith.mulf %get3A_37, %gather3A : vector<16xf32>
        %swap3A = arith.index_cast %scan3A_33 : i32 to index
        %swap3A_39 = arith.constant 0 : index
        %swap3A_40 = tpu.vector_load %arg15[%swap3A, %swap3A_39] {strides = array<i32>} : memref<80x64xf32, #tpu.memory_space<vmem>>, vector<16xf32>,
        tpu.vector_store %arg15[%swap3A, %swap3A_39], %mul3A_38 {strides = array<i32>} : memref<80x64xf32, #tpu.memory_space<vmem>>, vector<16xf32>,
        %get3A_41 = arith.index_cast %scan3A_33 : i32 to index
        %get3A_42 = arith.constant 16 : index
        %get3A_43 = tpu.vector_load %arg15[%get3A_41, %get3A_42] {strides = array<i32>} : memref<80x64xf32, #tpu.memory_space<vmem>>, vector<16xf32>,
        %mul3A_44 = arith.mulf %get3A_43, %gather3A : vector<16xf32>
        %swap3A_45 = arith.index_cast %scan3A_33 : i32 to index
        %swap3A_46 = arith.constant 16 : index
        %swap3A_47 = tpu.vector_load %arg15[%swap3A_45, %swap3A_46] {strides = array<i32>} : memref<80x64xf32, #tpu.memory_space<vmem>>, vector<16xf32>,
        tpu.vector_store %arg15[%swap3A_45, %swap3A_46], %mul3A_44 {strides = array<i32>} : memref<80x64xf32, #tpu.memory_space<vmem>>, vector<16xf32>,
        %get3A_48 = arith.index_cast %scan3A_33 : i32 to index
        %get3A_49 = arith.constant 32 : index
        %get3A_50 = tpu.vector_load %arg15[%get3A_48, %get3A_49] {strides = array<i32>} : memref<80x64xf32, #tpu.memory_space<vmem>>, vector<16xf32>,
        %mul3A_51 = arith.mulf %get3A_50, %gather3A : vector<16xf32>
        %swap3A_52 = arith.index_cast %scan3A_33 : i32 to index
        %swap3A_53 = arith.constant 32 : index
        %swap3A_54 = tpu.vector_load %arg15[%swap3A_52, %swap3A_53] {strides = array<i32>} : memref<80x64xf32, #tpu.memory_space<vmem>>, vector<16xf32>,
        tpu.vector_store %arg15[%swap3A_52, %swap3A_53], %mul3A_51 {strides = array<i32>} : memref<80x64xf32, #tpu.memory_space<vmem>>, vector<16xf32>,
        %get3A_55 = arith.index_cast %scan3A_33 : i32 to index
        %get3A_56 = arith.constant 48 : index
        %get3A_57 = tpu.vector_load %arg15[%get3A_55, %get3A_56] {strides = array<i32>} : memref<80x64xf32, #tpu.memory_space<vmem>>, vector<16xf32>,
        %mul3A_58 = arith.mulf %get3A_57, %gather3A : vector<16xf32>
        %swap3A_59 = arith.index_cast %scan3A_33 : i32 to index
        %swap3A_60 = arith.constant 48 : index
        %swap3A_61 = tpu.vector_load %arg15[%swap3A_59, %swap3A_60] {strides = array<i32>} : memref<80x64xf32, #tpu.memory_space<vmem>>, vector<16xf32>,
        tpu.vector_store %arg15[%swap3A_59, %swap3A_60], %mul3A_58 {strides = array<i32>} : memref<80x64xf32, #tpu.memory_space<vmem>>, vector<16xf32>,
        %scan3A_62 = arith.constant 1 : i32
        %scan3A_63 = arith.addi %scan3A_33, %scan3A_62 : i32
        %mul3A_64 = arith.constant 80 : i32
        %mul3A_65 = arith.muli %scan3A_17, %mul3A_64 : i32
        %add3A_66 = arith.addi %mul3A_65, %scan3A_63 : i32
        %broadcast_in_dim3A_67 = vector.broadcast %add3A_66 : i32 to vector<16xi32>
        %gather3A_68 = tpu.vector_load_idx %arg13[%broadcast_in_dim3A_67] : memref<10000xf32, #tpu.memory_space<vmem>>[vector<16xi32>], vector<16xf32>,
        %get3A_69 = arith.index_cast %scan3A_63 : i32 to index
        %get3A_70 = arith.constant 0 : index
        %get3A_71 = tpu.vector_load %arg15[%get3A_69, %get3A_70] {strides = array<i32>} : memref<80x64xf32, #tpu.memory_space<vmem>>, vector<16xf32>,
        %mul3A_72 = arith.mulf %get3A_71, %gather3A_68 : vector<16xf32>
        %swap3A_73 = arith.index_cast %scan3A_63 : i32 to index
        %swap3A_74 = arith.constant 0 : index
        %swap3A_75 = tpu.vector_load %arg15[%swap3A_73, %swap3A_74] {strides = array<i32>} : memref<80x64xf32, #tpu.memory_space<vmem>>, vector<16xf32>,
        tpu.vector_store %arg15[%swap3A_73, %swap3A_74], %mul3A_72 {strides = array<i32>} : memref<80x64xf32, #tpu.memory_space<vmem>>, vector<16xf32>,
        %get3A_76 = arith.index_cast %scan3A_63 : i32 to index
        %get3A_77 = arith.constant 16 : index
        %get3A_78 = tpu.vector_load %arg15[%get3A_76, %get3A_77] {strides = array<i32>} : memref<80x64xf32, #tpu.memory_space<vmem>>, vector<16xf32>,
        %mul3A_79 = arith.mulf %get3A_78, %gather3A_68 : vector<16xf32>
        %swap3A_80 = arith.index_cast %scan3A_63 : i32 to index
        %swap3A_81 = arith.constant 16 : index
        %swap3A_82 = tpu.vector_load %arg15[%swap3A_80, %swap3A_81] {strides = array<i32>} : memref<80x64xf32, #tpu.memory_space<vmem>>, vector<16xf32>,
        tpu.vector_store %arg15[%swap3A_80, %swap3A_81], %mul3A_79 {strides = array<i32>} : memref<80x64xf32, #tpu.memory_space<vmem>>, vector<16xf32>,
        %get3A_83 = arith.index_cast %scan3A_63 : i32 to index
        %get3A_84 = arith.constant 32 : index
        %get3A_85 = tpu.vector_load %arg15[%get3A_83, %get3A_84] {strides = array<i32>} : memref<80x64xf32, #tpu.memory_space<vmem>>, vector<16xf32>,
        %mul3A_86 = arith.mulf %get3A_85, %gather3A_68 : vector<16xf32>
        %swap3A_87 = arith.index_cast %scan3A_63 : i32 to index
        %swap3A_88 = arith.constant 32 : index
        %swap3A_89 = tpu.vector_load %arg15[%swap3A_87, %swap3A_88] {strides = array<i32>} : memref<80x64xf32, #tpu.memory_space<vmem>>, vector<16xf32>,
        tpu.vector_store %arg15[%swap3A_87, %swap3A_88], %mul3A_86 {strides = array<i32>} : memref<80x64xf32, #tpu.memory_space<vmem>>, vector<16xf32>,
        %get3A_90 = arith.index_cast %scan3A_63 : i32 to index
        %get3A_91 = arith.constant 48 : index
        %get3A_92 = tpu.vector_load %arg15[%get3A_90, %get3A_91] {strides = array<i32>} : memref<80x64xf32, #tpu.memory_space<vmem>>, vector<16xf32>,
        %mul3A_93 = arith.mulf %get3A_92, %gather3A_68 : vector<16xf32>
        %swap3A_94 = arith.index_cast %scan3A_63 : i32 to index
        %swap3A_95 = arith.constant 48 : index
        %swap3A_96 = tpu.vector_load %arg15[%swap3A_94, %swap3A_95] {strides = array<i32>} : memref<80x64xf32, #tpu.memory_space<vmem>>, vector<16xf32>,
        tpu.vector_store %arg15[%swap3A_94, %swap3A_95], %mul3A_93 {strides = array<i32>} : memref<80x64xf32, #tpu.memory_space<vmem>>, vector<16xf32>,
      }
      %scan3A_32 = arith.constant 80 : i32
      "tpu.region"() ({
        %run_scoped3A = tpu.sem_alloc : memref<!tpu.dma_semaphore, #tpu.memory_space<semaphore_mem>>
        %dma_start3A = arith.constant 0 : i32
        %dma_start3A_33 = tpu.memref_slice %arg14[%scan3A_17, %dma_start3A] : memref<125x80xi32, #tpu.memory_space<vmem>> -> memref<1x80xi32, #tpu.memory_space<vmem>>
        %dma_start3A_34 = tpu.memref_squeeze %dma_start3A_33 : memref<1x80xi32, #tpu.memory_space<vmem>> -> memref<80xi32, #tpu.memory_space<vmem>>
        %dma_start3A_35 = arith.constant 0 : i32
        %dma_start3A_36 = arith.constant 0 : i32
        %dma_start3A_37 = tpu.memref_slice %arg19[%dma_start3A_35, %dma_start3A_36] : memref<10240x64xf32, #tpu.memory_space<vmem_shared>> -> memref<10240x64xf32, #tpu.memory_space<vmem_shared>>
        tpu.enqueue_indirect_dma source(%arg15 : memref<80x64xf32, #tpu.memory_space<vmem>>) target(%dma_start3A_37 : memref<10240x64xf32, #tpu.memory_space<vmem_shared>>) offsets(%dma_start3A_34 : memref<80xi32, #tpu.memory_space<vmem>>) semaphore(%run_scoped3A : memref<!tpu.dma_semaphore, #tpu.memory_space<semaphore_mem>>) {add = true}
        %dma_wait3A = arith.constant 0 : i32
        %dma_wait3A_38 = tpu.memref_slice %arg14[%scan3A_17, %dma_wait3A] : memref<125x80xi32, #tpu.memory_space<vmem>> -> memref<1x80xi32, #tpu.memory_space<vmem>>
        %dma_wait3A_39 = tpu.memref_squeeze %dma_wait3A_38 : memref<1x80xi32, #tpu.memory_space<vmem>> -> memref<80xi32, #tpu.memory_space<vmem>>
        %dma_wait3A_40 = arith.constant 0 : i32
        %dma_wait3A_41 = arith.constant 0 : i32
        %dma_wait3A_42 = tpu.memref_slice %arg19[%dma_wait3A_40, %dma_wait3A_41] : memref<10240x64xf32, #tpu.memory_space<vmem_shared>> -> memref<10240x64xf32, #tpu.memory_space<vmem_shared>>
        tpu.wait_indirect_dma semaphore(%run_scoped3A : memref<!tpu.dma_semaphore, #tpu.memory_space<semaphore_mem>>) src(%arg15 : memref<80x64xf32, #tpu.memory_space<vmem>>) dst(%dma_wait3A_42 : memref<10240x64xf32, #tpu.memory_space<vmem_shared>>)
        tpu.yield
      }) : () -> ()
      "tpu.region"() ({
        %run_scoped3A = tpu.sem_alloc : memref<!tpu.dma_semaphore, #tpu.memory_space<semaphore_mem>>
        %dma_start3A = arith.constant 0 : i32
        %dma_start3A_33 = tpu.memref_slice %arg14[%scan3A_17, %dma_start3A] : memref<125x80xi32, #tpu.memory_space<vmem>> -> memref<1x80xi32, #tpu.memory_space<vmem>>
        %dma_start3A_34 = tpu.memref_squeeze %dma_start3A_33 : memref<1x80xi32, #tpu.memory_space<vmem>> -> memref<80xi32, #tpu.memory_space<vmem>>
        %dma_start3A_35 = arith.constant 0 : i32
        %dma_start3A_36 = arith.constant 0 : i32
        %dma_start3A_37 = tpu.memref_slice %arg20[%dma_start3A_35, %dma_start3A_36] : memref<10240x16xf32, #tpu.memory_space<vmem_shared>> -> memref<10240x16xf32, #tpu.memory_space<vmem_shared>>
        tpu.enqueue_indirect_dma source(%arg16 : memref<80x16xf32, #tpu.memory_space<vmem>>) target(%dma_start3A_37 : memref<10240x16xf32, #tpu.memory_space<vmem_shared>>) offsets(%dma_start3A_34 : memref<80xi32, #tpu.memory_space<vmem>>) semaphore(%run_scoped3A : memref<!tpu.dma_semaphore, #tpu.memory_space<semaphore_mem>>) {add = true}
        %dma_wait3A = arith.constant 0 : i32
        %dma_wait3A_38 = tpu.memref_slice %arg14[%scan3A_17, %dma_wait3A] : memref<125x80xi32, #tpu.memory_space<vmem>> -> memref<1x80xi32, #tpu.memory_space<vmem>>
        %dma_wait3A_39 = tpu.memref_squeeze %dma_wait3A_38 : memref<1x80xi32, #tpu.memory_space<vmem>> -> memref<80xi32, #tpu.memory_space<vmem>>
        %dma_wait3A_40 = arith.constant 0 : i32
        %dma_wait3A_41 = arith.constant 0 : i32
        %dma_wait3A_42 = tpu.memref_slice %arg20[%dma_wait3A_40, %dma_wait3A_41] : memref<10240x16xf32, #tpu.memory_space<vmem_shared>> -> memref<10240x16xf32, #tpu.memory_space<vmem_shared>>
        tpu.wait_indirect_dma semaphore(%run_scoped3A : memref<!tpu.dma_semaphore, #tpu.memory_space<semaphore_mem>>) src(%arg16 : memref<80x16xf32, #tpu.memory_space<vmem>>) dst(%dma_wait3A_42 : memref<10240x16xf32, #tpu.memory_space<vmem_shared>>)
        tpu.yield
      }) : () -> ()
    }
    %scan3A_9 = arith.constant 125 : i32
    %barrier3A_10 = arith.constant 0 : index
    tpu.barrier barrier_id(%barrier3A_10)
    %scan3A_11 = arith.constant 0 : i32
    %scan3A_12 = arith.constant 0 : i32
    %scan3A_13 = arith.constant 5 : i32
    %scan3A_14 = arith.addi %scan3A_12, %scan3A_13 : i32
    %scan3A_15 = arith.constant 1 : i32
    scf.for %scan3A_17 = %scan3A_12 to %scan3A_14 step %scan3A_15  : i32 {
      %mul3A_18 = arith.constant 128 : i32
      %mul3A_19 = arith.muli %scan3A_17, %mul3A_18 : i32
      %add3A = arith.addi %mul3A_0, %mul3A_19 : i32
      "tpu.region"() ({
        %run_scoped3A = tpu.sem_alloc : memref<!tpu.dma_semaphore, #tpu.memory_space<semaphore_mem>>
        %dma_start3A = arith.constant 0 : i32
        %dma_start3A_33 = tpu.memref_slice %arg19[%add3A, %dma_start3A] : memref<10240x64xf32, #tpu.memory_space<vmem_shared>> -> memref<128x64xf32, #tpu.memory_space<vmem_shared>>
        %dma_start3A_34 = arith.constant 0 : i32
        %dma_start3A_35 = tpu.memref_slice %arg19[%add3A, %dma_start3A_34] : memref<10240x64xf32, #tpu.memory_space<vmem_shared>> -> memref<128x64xf32, #tpu.memory_space<vmem_shared>>
        tpu.enqueue_dma source(%dma_start3A_35 : memref<128x64xf32, #tpu.memory_space<vmem_shared>>) target(%arg17 : memref<128x64xf32, #tpu.memory_space<vmem>>) target_semaphore(%run_scoped3A : memref<!tpu.dma_semaphore, #tpu.memory_space<semaphore_mem>>)
        %dma_wait3A = arith.constant 0 : i32
        %dma_wait3A_36 = tpu.memref_slice %arg19[%add3A, %dma_wait3A] : memref<10240x64xf32, #tpu.memory_space<vmem_shared>> -> memref<128x64xf32, #tpu.memory_space<vmem_shared>>
        %dma_wait3A_37 = arith.constant 0 : i32
        %dma_wait3A_38 = tpu.memref_slice %arg19[%add3A, %dma_wait3A_37] : memref<10240x64xf32, #tpu.memory_space<vmem_shared>> -> memref<128x64xf32, #tpu.memory_space<vmem_shared>>
        tpu.wait_dma2 semaphore(%run_scoped3A : memref<!tpu.dma_semaphore, #tpu.memory_space<semaphore_mem>>) src(%dma_wait3A_38 : memref<128x64xf32, #tpu.memory_space<vmem_shared>>) dst(%arg17 : memref<128x64xf32, #tpu.memory_space<vmem>>)
        tpu.yield
      }) : () -> ()
      "tpu.region"() ({
        %run_scoped3A = tpu.sem_alloc : memref<!tpu.dma_semaphore, #tpu.memory_space<semaphore_mem>>
        %dma_start3A = arith.constant 0 : i32
        %dma_start3A_33 = tpu.memref_slice %arg20[%add3A, %dma_start3A] : memref<10240x16xf32, #tpu.memory_space<vmem_shared>> -> memref<128x16xf32, #tpu.memory_space<vmem_shared>>
        %dma_start3A_34 = arith.constant 0 : i32
        %dma_start3A_35 = tpu.memref_slice %arg20[%add3A, %dma_start3A_34] : memref<10240x16xf32, #tpu.memory_space<vmem_shared>> -> memref<128x16xf32, #tpu.memory_space<vmem_shared>>
        tpu.enqueue_dma source(%dma_start3A_35 : memref<128x16xf32, #tpu.memory_space<vmem_shared>>) target(%arg18 : memref<128x16xf32, #tpu.memory_space<vmem>>) target_semaphore(%run_scoped3A : memref<!tpu.dma_semaphore, #tpu.memory_space<semaphore_mem>>)
        %dma_wait3A = arith.constant 0 : i32
        %dma_wait3A_36 = tpu.memref_slice %arg20[%add3A, %dma_wait3A] : memref<10240x16xf32, #tpu.memory_space<vmem_shared>> -> memref<128x16xf32, #tpu.memory_space<vmem_shared>>
        %dma_wait3A_37 = arith.constant 0 : i32
        %dma_wait3A_38 = tpu.memref_slice %arg20[%add3A, %dma_wait3A_37] : memref<10240x16xf32, #tpu.memory_space<vmem_shared>> -> memref<128x16xf32, #tpu.memory_space<vmem_shared>>
        tpu.wait_dma2 semaphore(%run_scoped3A : memref<!tpu.dma_semaphore, #tpu.memory_space<semaphore_mem>>) src(%dma_wait3A_38 : memref<128x16xf32, #tpu.memory_space<vmem_shared>>) dst(%arg18 : memref<128x16xf32, #tpu.memory_space<vmem>>)
        tpu.yield
      }) : () -> ()
      %scan3A_20 = arith.constant 0 : i32
      %scan3A_21 = arith.constant 0 : i32
      %scan3A_22 = arith.constant 128 : i32
      %scan3A_23 = arith.addi %scan3A_21, %scan3A_22 : i32
      %scan3A_24 = arith.constant 2 : i32
      scf.for %scan3A_33 = %scan3A_21 to %scan3A_23 step %scan3A_24  : i32 {
        %get3A = arith.index_cast %scan3A_33 : i32 to index
        %get3A_34 = arith.constant 0 : index
        %get3A_35 = tpu.vector_load %arg18[%get3A, %get3A_34] {strides = array<i32>} : memref<128x16xf32, #tpu.memory_space<vmem>>, vector<16xf32>,
        %max3A = arith.constant 1.000000e+00 : f32
        %max3A_36 = vector.broadcast %max3A : f32 to vector<16xf32>
        %max3A_37 = arith.maximumf %get3A_35, %max3A_36 : vector<16xf32>
        %div3A = arith.constant 1.000000e+00 : f32
        %div3A_38 = vector.broadcast %div3A : f32 to vector<16xf32>
        %div3A_39 = arith.divf %div3A_38, %max3A_37 : vector<16xf32>
        %get3A_40 = arith.index_cast %scan3A_33 : i32 to index
        %get3A_41 = arith.constant 0 : index
        %get3A_42 = tpu.vector_load %arg17[%get3A_40, %get3A_41] {strides = array<i32>} : memref<128x64xf32, #tpu.memory_space<vmem>>, vector<16xf32>,
        %mul3A_43 = arith.mulf %get3A_42, %div3A_39 : vector<16xf32>
        %swap3A = arith.index_cast %scan3A_33 : i32 to index
        %swap3A_44 = arith.constant 0 : index
        %swap3A_45 = tpu.vector_load %arg17[%swap3A, %swap3A_44] {strides = array<i32>} : memref<128x64xf32, #tpu.memory_space<vmem>>, vector<16xf32>,
        tpu.vector_store %arg17[%swap3A, %swap3A_44], %mul3A_43 {strides = array<i32>} : memref<128x64xf32, #tpu.memory_space<vmem>>, vector<16xf32>,
        %get3A_46 = arith.index_cast %scan3A_33 : i32 to index
        %get3A_47 = arith.constant 16 : index
        %get3A_48 = tpu.vector_load %arg17[%get3A_46, %get3A_47] {strides = array<i32>} : memref<128x64xf32, #tpu.memory_space<vmem>>, vector<16xf32>,
        %mul3A_49 = arith.mulf %get3A_48, %div3A_39 : vector<16xf32>
        %swap3A_50 = arith.index_cast %scan3A_33 : i32 to index
        %swap3A_51 = arith.constant 16 : index
        %swap3A_52 = tpu.vector_load %arg17[%swap3A_50, %swap3A_51] {strides = array<i32>} : memref<128x64xf32, #tpu.memory_space<vmem>>, vector<16xf32>,
        tpu.vector_store %arg17[%swap3A_50, %swap3A_51], %mul3A_49 {strides = array<i32>} : memref<128x64xf32, #tpu.memory_space<vmem>>, vector<16xf32>,
        %get3A_53 = arith.index_cast %scan3A_33 : i32 to index
        %get3A_54 = arith.constant 32 : index
        %get3A_55 = tpu.vector_load %arg17[%get3A_53, %get3A_54] {strides = array<i32>} : memref<128x64xf32, #tpu.memory_space<vmem>>, vector<16xf32>,
        %mul3A_56 = arith.mulf %get3A_55, %div3A_39 : vector<16xf32>
        %swap3A_57 = arith.index_cast %scan3A_33 : i32 to index
        %swap3A_58 = arith.constant 32 : index
        %swap3A_59 = tpu.vector_load %arg17[%swap3A_57, %swap3A_58] {strides = array<i32>} : memref<128x64xf32, #tpu.memory_space<vmem>>, vector<16xf32>,
        tpu.vector_store %arg17[%swap3A_57, %swap3A_58], %mul3A_56 {strides = array<i32>} : memref<128x64xf32, #tpu.memory_space<vmem>>, vector<16xf32>,
        %get3A_60 = arith.index_cast %scan3A_33 : i32 to index
        %get3A_61 = arith.constant 48 : index
        %get3A_62 = tpu.vector_load %arg17[%get3A_60, %get3A_61] {strides = array<i32>} : memref<128x64xf32, #tpu.memory_space<vmem>>, vector<16xf32>,
        %mul3A_63 = arith.mulf %get3A_62, %div3A_39 : vector<16xf32>
        %swap3A_64 = arith.index_cast %scan3A_33 : i32 to index
        %swap3A_65 = arith.constant 48 : index
        %swap3A_66 = tpu.vector_load %arg17[%swap3A_64, %swap3A_65] {strides = array<i32>} : memref<128x64xf32, #tpu.memory_space<vmem>>, vector<16xf32>,
        tpu.vector_store %arg17[%swap3A_64, %swap3A_65], %mul3A_63 {strides = array<i32>} : memref<128x64xf32, #tpu.memory_space<vmem>>, vector<16xf32>,
        %scan3A_67 = arith.constant 1 : i32
        %scan3A_68 = arith.addi %scan3A_33, %scan3A_67 : i32
        %get3A_69 = arith.index_cast %scan3A_68 : i32 to index
        %get3A_70 = arith.constant 0 : index
        %get3A_71 = tpu.vector_load %arg18[%get3A_69, %get3A_70] {strides = array<i32>} : memref<128x16xf32, #tpu.memory_space<vmem>>, vector<16xf32>,
        %max3A_72 = arith.constant 1.000000e+00 : f32
        %max3A_73 = vector.broadcast %max3A_72 : f32 to vector<16xf32>
        %max3A_74 = arith.maximumf %get3A_71, %max3A_73 : vector<16xf32>
        %div3A_75 = arith.constant 1.000000e+00 : f32
        %div3A_76 = vector.broadcast %div3A_75 : f32 to vector<16xf32>
        %div3A_77 = arith.divf %div3A_76, %max3A_74 : vector<16xf32>
        %get3A_78 = arith.index_cast %scan3A_68 : i32 to index
        %get3A_79 = arith.constant 0 : index
        %get3A_80 = tpu.vector_load %arg17[%get3A_78, %get3A_79] {strides = array<i32>} : memref<128x64xf32, #tpu.memory_space<vmem>>, vector<16xf32>,
        %mul3A_81 = arith.mulf %get3A_80, %div3A_77 : vector<16xf32>
        %swap3A_82 = arith.index_cast %scan3A_68 : i32 to index
        %swap3A_83 = arith.constant 0 : index
        %swap3A_84 = tpu.vector_load %arg17[%swap3A_82, %swap3A_83] {strides = array<i32>} : memref<128x64xf32, #tpu.memory_space<vmem>>, vector<16xf32>,
        tpu.vector_store %arg17[%swap3A_82, %swap3A_83], %mul3A_81 {strides = array<i32>} : memref<128x64xf32, #tpu.memory_space<vmem>>, vector<16xf32>,
        %get3A_85 = arith.index_cast %scan3A_68 : i32 to index
        %get3A_86 = arith.constant 16 : index
        %get3A_87 = tpu.vector_load %arg17[%get3A_85, %get3A_86] {strides = array<i32>} : memref<128x64xf32, #tpu.memory_space<vmem>>, vector<16xf32>,
        %mul3A_88 = arith.mulf %get3A_87, %div3A_77 : vector<16xf32>
        %swap3A_89 = arith.index_cast %scan3A_68 : i32 to index
        %swap3A_90 = arith.constant 16 : index
        %swap3A_91 = tpu.vector_load %arg17[%swap3A_89, %swap3A_90] {strides = array<i32>} : memref<128x64xf32, #tpu.memory_space<vmem>>, vector<16xf32>,
        tpu.vector_store %arg17[%swap3A_89, %swap3A_90], %mul3A_88 {strides = array<i32>} : memref<128x64xf32, #tpu.memory_space<vmem>>, vector<16xf32>,
        %get3A_92 = arith.index_cast %scan3A_68 : i32 to index
        %get3A_93 = arith.constant 32 : index
        %get3A_94 = tpu.vector_load %arg17[%get3A_92, %get3A_93] {strides = array<i32>} : memref<128x64xf32, #tpu.memory_space<vmem>>, vector<16xf32>,
        %mul3A_95 = arith.mulf %get3A_94, %div3A_77 : vector<16xf32>
        %swap3A_96 = arith.index_cast %scan3A_68 : i32 to index
        %swap3A_97 = arith.constant 32 : index
        %swap3A_98 = tpu.vector_load %arg17[%swap3A_96, %swap3A_97] {strides = array<i32>} : memref<128x64xf32, #tpu.memory_space<vmem>>, vector<16xf32>,
        tpu.vector_store %arg17[%swap3A_96, %swap3A_97], %mul3A_95 {strides = array<i32>} : memref<128x64xf32, #tpu.memory_space<vmem>>, vector<16xf32>,
        %get3A_99 = arith.index_cast %scan3A_68 : i32 to index
        %get3A_100 = arith.constant 48 : index
        %get3A_101 = tpu.vector_load %arg17[%get3A_99, %get3A_100] {strides = array<i32>} : memref<128x64xf32, #tpu.memory_space<vmem>>, vector<16xf32>,
        %mul3A_102 = arith.mulf %get3A_101, %div3A_77 : vector<16xf32>
        %swap3A_103 = arith.index_cast %scan3A_68 : i32 to index
        %swap3A_104 = arith.constant 48 : index
        %swap3A_105 = tpu.vector_load %arg17[%swap3A_103, %swap3A_104] {strides = array<i32>} : memref<128x64xf32, #tpu.memory_space<vmem>>, vector<16xf32>,
        tpu.vector_store %arg17[%swap3A_103, %swap3A_104], %mul3A_102 {strides = array<i32>} : memref<128x64xf32, #tpu.memory_space<vmem>>, vector<16xf32>,
      }
      %scan3A_25 = arith.constant 128 : i32
      %eq3A = arith.constant 0 : i32
      %eq3A_26 = arith.cmpi eq, %arg0, %eq3A : i32
      %convert_element_type3A = arith.extui %eq3A_26 : i1 to i32
      %cond3A = arith.constant 0 : i32
      %cond3A_27 = arith.cmpi ne, %convert_element_type3A, %cond3A : i32
      scf.if %cond3A_27 {
        "tpu.region"() ({
          %run_scoped3A = tpu.sem_alloc : memref<!tpu.dma_semaphore, #tpu.memory_space<semaphore_mem>>
          %dma_start3A = arith.constant 0 : i32
          %dma_start3A_33 = tpu.memref_slice %arg10[%add3A, %dma_start3A] : memref<10240x64xf32, #tpu.memory_space<hbm>> -> memref<128x64xf32, #tpu.memory_space<hbm>>
          %dma_start3A_34 = arith.constant 0 : i32
          %dma_start3A_35 = tpu.memref_slice %arg10[%add3A, %dma_start3A_34] : memref<10240x64xf32, #tpu.memory_space<hbm>> -> memref<128x64xf32, #tpu.memory_space<hbm>>
          tpu.enqueue_dma source(%arg17 : memref<128x64xf32, #tpu.memory_space<vmem>>) target(%dma_start3A_35 : memref<128x64xf32, #tpu.memory_space<hbm>>) target_semaphore(%run_scoped3A : memref<!tpu.dma_semaphore, #tpu.memory_space<semaphore_mem>>)
          %dma_wait3A = arith.constant 0 : i32
          %dma_wait3A_36 = tpu.memref_slice %arg10[%add3A, %dma_wait3A] : memref<10240x64xf32, #tpu.memory_space<hbm>> -> memref<128x64xf32, #tpu.memory_space<hbm>>
          %dma_wait3A_37 = arith.constant 0 : i32
          %dma_wait3A_38 = tpu.memref_slice %arg10[%add3A, %dma_wait3A_37] : memref<10240x64xf32, #tpu.memory_space<hbm>> -> memref<128x64xf32, #tpu.memory_space<hbm>>
          tpu.wait_dma2 semaphore(%run_scoped3A : memref<!tpu.dma_semaphore, #tpu.memory_space<semaphore_mem>>) src(%arg17 : memref<128x64xf32, #tpu.memory_space<vmem>>) dst(%dma_wait3A_38 : memref<128x64xf32, #tpu.memory_space<hbm>>)
          tpu.yield
        }) : () -> ()
      } else {
      }
      %eq3A_28 = arith.constant 1 : i32
      %eq3A_29 = arith.cmpi eq, %arg0, %eq3A_28 : i32
      %convert_element_type3A_30 = arith.extui %eq3A_29 : i1 to i32
      %cond3A_31 = arith.constant 0 : i32
      %cond3A_32 = arith.cmpi ne, %convert_element_type3A_30, %cond3A_31 : i32
      scf.if %cond3A_32 {
        "tpu.region"() ({
          %run_scoped3A = tpu.sem_alloc : memref<!tpu.dma_semaphore, #tpu.memory_space<semaphore_mem>>
          %dma_start3A = arith.constant 0 : i32
          %dma_start3A_33 = tpu.memref_slice %arg11[%add3A, %dma_start3A] : memref<10240x64xf32, #tpu.memory_space<hbm>> -> memref<128x64xf32, #tpu.memory_space<hbm>>
          %dma_start3A_34 = arith.constant 0 : i32
          %dma_start3A_35 = tpu.memref_slice %arg11[%add3A, %dma_start3A_34] : memref<10240x64xf32, #tpu.memory_space<hbm>> -> memref<128x64xf32, #tpu.memory_space<hbm>>
          tpu.enqueue_dma source(%arg17 : memref<128x64xf32, #tpu.memory_space<vmem>>) target(%dma_start3A_35 : memref<128x64xf32, #tpu.memory_space<hbm>>) target_semaphore(%run_scoped3A : memref<!tpu.dma_semaphore, #tpu.memory_space<semaphore_mem>>)
          %dma_wait3A = arith.constant 0 : i32
          %dma_wait3A_36 = tpu.memref_slice %arg11[%add3A, %dma_wait3A] : memref<10240x64xf32, #tpu.memory_space<hbm>> -> memref<128x64xf32, #tpu.memory_space<hbm>>
          %dma_wait3A_37 = arith.constant 0 : i32
          %dma_wait3A_38 = tpu.memref_slice %arg11[%add3A, %dma_wait3A_37] : memref<10240x64xf32, #tpu.memory_space<hbm>> -> memref<128x64xf32, #tpu.memory_space<hbm>>
          tpu.wait_dma2 semaphore(%run_scoped3A : memref<!tpu.dma_semaphore, #tpu.memory_space<semaphore_mem>>) src(%arg17 : memref<128x64xf32, #tpu.memory_space<vmem>>) dst(%dma_wait3A_38 : memref<128x64xf32, #tpu.memory_space<hbm>>)
          tpu.yield
        }) : () -> ()
      } else {
      }
    }
    %scan3A_16 = arith.constant 5 : i32
    return
  }
}

module attributes {stable_mosaic.version = 14 : i64} {
  func.func @_mm1_body(%arg0: i32, %arg1: memref<1000x256xf32, #tpu.memory_space<vmem>>, %arg2: memref<256x256xf32, #tpu.memory_space<vmem>>, %arg3: memref<1x256xf32, #tpu.memory_space<vmem>>, %arg4: memref<1000x64xf32, #tpu.memory_space<vmem>>, %arg5: memref<1000x64xf32, #tpu.memory_space<vmem>>, %arg6: memref<1000x64xf32, #tpu.memory_space<vmem>>, %arg7: memref<1000x64xf32, #tpu.memory_space<vmem>>) attributes {dimension_semantics = [#tpu.dimension_semantics<arbitrary>], iteration_bounds = array<i64: 10>, scalar_prefetch = 0 : i64, scratch_operands = 0 : i64, tpu.core_type = #tpu.core_type<tc>, window_params = [{transform_indices = @transform_0, window_bounds = array<i64: 1000, 256>}, {pipeline_mode = #tpu.pipeline_mode<synchronous>, transform_indices = @transform_1, window_bounds = array<i64: 256, 256>}, {pipeline_mode = #tpu.pipeline_mode<synchronous>, transform_indices = @transform_2, window_bounds = array<i64: 1, 256>}, {transform_indices = @transform_3, window_bounds = array<i64: 1000, 64>}, {transform_indices = @transform_4, window_bounds = array<i64: 1000, 64>}, {transform_indices = @transform_5, window_bounds = array<i64: 1000, 64>}, {transform_indices = @transform_6, window_bounds = array<i64: 1000, 64>}]} {
    %get3A = arith.constant 0 : index
    %get3A_0 = arith.constant 0 : index
    %get3A_1 = vector.load %arg1[%get3A, %get3A_0] : memref<1000x256xf32, #tpu.memory_space<vmem>>, vector<1000x256xf32>
    %get3A_2 = arith.constant 0 : index
    %get3A_3 = arith.constant 0 : index
    %get3A_4 = vector.load %arg2[%get3A_2, %get3A_3] : memref<256x256xf32, #tpu.memory_space<vmem>>, vector<256x256xf32>
    %dot_general3A = arith.constant dense<0.000000e+00> : vector<1000x256xf32>
    %dot_general3A_5 = tpu.matmul %get3A_1, %get3A_4, %dot_general3A {dimension_numbers = #tpu.dot_dimension_numbers<[1], [0], [0], [1], [0, 0, 1, 1], [], []>, transpose_lhs_hint = false} : vector<1000x256xf32>, vector<256x256xf32>, vector<1000x256xf32> -> vector<1000x256xf32>
    %get3A_6 = arith.constant 0 : index
    %get3A_7 = arith.constant 0 : index
    %get3A_8 = vector.load %arg3[%get3A_6, %get3A_7] : memref<1x256xf32, #tpu.memory_space<vmem>>, vector<1x256xf32>
    %add3A = vector.broadcast %get3A_8 : vector<1x256xf32> to vector<1000x256xf32>
    %add3A_9 = arith.addf %dot_general3A_5, %add3A : vector<1000x256xf32>
    %max3A = arith.constant 0.000000e+00 : f32
    %max3A_10 = vector.broadcast %max3A : f32 to vector<1000x256xf32>
    %max3A_11 = arith.maximumf %add3A_9, %max3A_10 : vector<1000x256xf32>
    %slice3A = vector.extract_strided_slice %max3A_11 {offsets = [0, 0], sizes = [1000, 64], strides = [1, 1]} : vector<1000x256xf32> to vector<1000x64xf32>
    %swap3A = arith.constant 0 : index
    %swap3A_12 = arith.constant 0 : index
    %swap3A_13 = vector.load %arg4[%swap3A, %swap3A_12] : memref<1000x64xf32, #tpu.memory_space<vmem>>, vector<1000x64xf32>
    tpu.vector_store %arg4[%swap3A, %swap3A_12], %slice3A {strides = array<i32>} : memref<1000x64xf32, #tpu.memory_space<vmem>>, vector<1000x64xf32>,
    %slice3A_14 = vector.extract_strided_slice %max3A_11 {offsets = [0, 64], sizes = [1000, 64], strides = [1, 1]} : vector<1000x256xf32> to vector<1000x64xf32>
    %swap3A_15 = arith.constant 0 : index
    %swap3A_16 = arith.constant 0 : index
    %swap3A_17 = vector.load %arg5[%swap3A_15, %swap3A_16] : memref<1000x64xf32, #tpu.memory_space<vmem>>, vector<1000x64xf32>
    tpu.vector_store %arg5[%swap3A_15, %swap3A_16], %slice3A_14 {strides = array<i32>} : memref<1000x64xf32, #tpu.memory_space<vmem>>, vector<1000x64xf32>,
    %slice3A_18 = vector.extract_strided_slice %max3A_11 {offsets = [0, 128], sizes = [1000, 64], strides = [1, 1]} : vector<1000x256xf32> to vector<1000x64xf32>
    %swap3A_19 = arith.constant 0 : index
    %swap3A_20 = arith.constant 0 : index
    %swap3A_21 = vector.load %arg6[%swap3A_19, %swap3A_20] : memref<1000x64xf32, #tpu.memory_space<vmem>>, vector<1000x64xf32>
    tpu.vector_store %arg6[%swap3A_19, %swap3A_20], %slice3A_18 {strides = array<i32>} : memref<1000x64xf32, #tpu.memory_space<vmem>>, vector<1000x64xf32>,
    %slice3A_22 = vector.extract_strided_slice %max3A_11 {offsets = [0, 192], sizes = [1000, 64], strides = [1, 1]} : vector<1000x256xf32> to vector<1000x64xf32>
    %swap3A_23 = arith.constant 0 : index
    %swap3A_24 = arith.constant 0 : index
    %swap3A_25 = vector.load %arg7[%swap3A_23, %swap3A_24] : memref<1000x64xf32, #tpu.memory_space<vmem>>, vector<1000x64xf32>
    tpu.vector_store %arg7[%swap3A_23, %swap3A_24], %slice3A_22 {strides = array<i32>} : memref<1000x64xf32, #tpu.memory_space<vmem>>, vector<1000x64xf32>,
    return
  }
  func.func @transform_0(%arg0: i32) -> (i32, i32) {
    %c0_i32 = arith.constant 0 : i32
    %c0_i32_0 = arith.constant 0 : i32
    return %arg0, %c0_i32 : i32, i32
  }
  func.func @transform_1(%arg0: i32) -> (i32, i32) {
    %c0_i32 = arith.constant 0 : i32
    %c0_i32_0 = arith.constant 0 : i32
    %c0_i32_1 = arith.constant 0 : i32
    return %c0_i32, %c0_i32_0 : i32, i32
  }
  func.func @transform_2(%arg0: i32) -> (i32, i32) {
    %c0_i32 = arith.constant 0 : i32
    %c0_i32_0 = arith.constant 0 : i32
    %c0_i32_1 = arith.constant 0 : i32
    return %c0_i32, %c0_i32_0 : i32, i32
  }
  func.func @transform_3(%arg0: i32) -> (i32, i32) {
    %c0_i32 = arith.constant 0 : i32
    %c0_i32_0 = arith.constant 0 : i32
    return %arg0, %c0_i32 : i32, i32
  }
  func.func @transform_4(%arg0: i32) -> (i32, i32) {
    %c0_i32 = arith.constant 0 : i32
    %c0_i32_0 = arith.constant 0 : i32
    return %arg0, %c0_i32 : i32, i32
  }
  func.func @transform_5(%arg0: i32) -> (i32, i32) {
    %c0_i32 = arith.constant 0 : i32
    %c0_i32_0 = arith.constant 0 : i32
    return %arg0, %c0_i32 : i32, i32
  }
  func.func @transform_6(%arg0: i32) -> (i32, i32) {
    %c0_i32 = arith.constant 0 : i32
    %c0_i32_0 = arith.constant 0 : i32
    return %arg0, %c0_i32 : i32, i32
  }
}

module attributes {stable_mosaic.version = 14 : i64} {
  func.func @_mm2_body(%arg0: i32, %arg1: memref<1000x256xf32, #tpu.memory_space<vmem>>, %arg2: memref<1000x64xf32, #tpu.memory_space<vmem>>, %arg3: memref<1000x64xf32, #tpu.memory_space<vmem>>, %arg4: memref<1000x64xf32, #tpu.memory_space<vmem>>, %arg5: memref<1000x64xf32, #tpu.memory_space<vmem>>, %arg6: memref<256x256xf32, #tpu.memory_space<vmem>>, %arg7: memref<64x256xf32, #tpu.memory_space<vmem>>, %arg8: memref<64x256xf32, #tpu.memory_space<vmem>>, %arg9: memref<64x256xf32, #tpu.memory_space<vmem>>, %arg10: memref<64x256xf32, #tpu.memory_space<vmem>>, %arg11: memref<1x256xf32, #tpu.memory_space<vmem>>, %arg12: memref<1000x256xf32, #tpu.memory_space<vmem>>) attributes {dimension_semantics = [#tpu.dimension_semantics<arbitrary>], iteration_bounds = array<i64: 10>, scalar_prefetch = 0 : i64, scratch_operands = 0 : i64, tpu.core_type = #tpu.core_type<tc>, window_params = [{transform_indices = @transform_0, window_bounds = array<i64: 1000, 256>}, {transform_indices = @transform_1, window_bounds = array<i64: 1000, 64>}, {transform_indices = @transform_2, window_bounds = array<i64: 1000, 64>}, {transform_indices = @transform_3, window_bounds = array<i64: 1000, 64>}, {transform_indices = @transform_4, window_bounds = array<i64: 1000, 64>}, {pipeline_mode = #tpu.pipeline_mode<synchronous>, transform_indices = @transform_5, window_bounds = array<i64: 256, 256>}, {pipeline_mode = #tpu.pipeline_mode<synchronous>, transform_indices = @transform_6, window_bounds = array<i64: 64, 256>}, {pipeline_mode = #tpu.pipeline_mode<synchronous>, transform_indices = @transform_7, window_bounds = array<i64: 64, 256>}, {pipeline_mode = #tpu.pipeline_mode<synchronous>, transform_indices = @transform_8, window_bounds = array<i64: 64, 256>}, {pipeline_mode = #tpu.pipeline_mode<synchronous>, transform_indices = @transform_9, window_bounds = array<i64: 64, 256>}, {pipeline_mode = #tpu.pipeline_mode<synchronous>, transform_indices = @transform_10, window_bounds = array<i64: 1, 256>}, {transform_indices = @transform_11, window_bounds = array<i64: 1000, 256>}]} {
    %get3A = arith.constant 0 : index
    %get3A_0 = arith.constant 0 : index
    %get3A_1 = vector.load %arg1[%get3A, %get3A_0] : memref<1000x256xf32, #tpu.memory_space<vmem>>, vector<1000x256xf32>
    %get3A_2 = arith.constant 0 : index
    %get3A_3 = arith.constant 0 : index
    %get3A_4 = vector.load %arg6[%get3A_2, %get3A_3] : memref<256x256xf32, #tpu.memory_space<vmem>>, vector<256x256xf32>
    %dot_general3A = arith.constant dense<0.000000e+00> : vector<1000x256xf32>
    %dot_general3A_5 = tpu.matmul %get3A_1, %get3A_4, %dot_general3A {dimension_numbers = #tpu.dot_dimension_numbers<[1], [0], [0], [1], [0, 0, 1, 1], [], []>, transpose_lhs_hint = false} : vector<1000x256xf32>, vector<256x256xf32>, vector<1000x256xf32> -> vector<1000x256xf32>
    %get3A_6 = arith.constant 0 : index
    %get3A_7 = arith.constant 0 : index
    %get3A_8 = vector.load %arg2[%get3A_6, %get3A_7] : memref<1000x64xf32, #tpu.memory_space<vmem>>, vector<1000x64xf32>
    %get3A_9 = arith.constant 0 : index
    %get3A_10 = arith.constant 0 : index
    %get3A_11 = vector.load %arg7[%get3A_9, %get3A_10] : memref<64x256xf32, #tpu.memory_space<vmem>>, vector<64x256xf32>
    %dot_general3A_12 = arith.constant dense<0.000000e+00> : vector<1000x256xf32>
    %dot_general3A_13 = tpu.matmul %get3A_8, %get3A_11, %dot_general3A_12 {dimension_numbers = #tpu.dot_dimension_numbers<[1], [0], [0], [1], [0, 0, 1, 1], [], []>, transpose_lhs_hint = false} : vector<1000x64xf32>, vector<64x256xf32>, vector<1000x256xf32> -> vector<1000x256xf32>
    %add3A = arith.addf %dot_general3A_5, %dot_general3A_13 : vector<1000x256xf32>
    %get3A_14 = arith.constant 0 : index
    %get3A_15 = arith.constant 0 : index
    %get3A_16 = vector.load %arg3[%get3A_14, %get3A_15] : memref<1000x64xf32, #tpu.memory_space<vmem>>, vector<1000x64xf32>
    %get3A_17 = arith.constant 0 : index
    %get3A_18 = arith.constant 0 : index
    %get3A_19 = vector.load %arg8[%get3A_17, %get3A_18] : memref<64x256xf32, #tpu.memory_space<vmem>>, vector<64x256xf32>
    %dot_general3A_20 = arith.constant dense<0.000000e+00> : vector<1000x256xf32>
    %dot_general3A_21 = tpu.matmul %get3A_16, %get3A_19, %dot_general3A_20 {dimension_numbers = #tpu.dot_dimension_numbers<[1], [0], [0], [1], [0, 0, 1, 1], [], []>, transpose_lhs_hint = false} : vector<1000x64xf32>, vector<64x256xf32>, vector<1000x256xf32> -> vector<1000x256xf32>
    %add3A_22 = arith.addf %add3A, %dot_general3A_21 : vector<1000x256xf32>
    %get3A_23 = arith.constant 0 : index
    %get3A_24 = arith.constant 0 : index
    %get3A_25 = vector.load %arg4[%get3A_23, %get3A_24] : memref<1000x64xf32, #tpu.memory_space<vmem>>, vector<1000x64xf32>
    %get3A_26 = arith.constant 0 : index
    %get3A_27 = arith.constant 0 : index
    %get3A_28 = vector.load %arg9[%get3A_26, %get3A_27] : memref<64x256xf32, #tpu.memory_space<vmem>>, vector<64x256xf32>
    %dot_general3A_29 = arith.constant dense<0.000000e+00> : vector<1000x256xf32>
    %dot_general3A_30 = tpu.matmul %get3A_25, %get3A_28, %dot_general3A_29 {dimension_numbers = #tpu.dot_dimension_numbers<[1], [0], [0], [1], [0, 0, 1, 1], [], []>, transpose_lhs_hint = false} : vector<1000x64xf32>, vector<64x256xf32>, vector<1000x256xf32> -> vector<1000x256xf32>
    %add3A_31 = arith.addf %add3A_22, %dot_general3A_30 : vector<1000x256xf32>
    %get3A_32 = arith.constant 0 : index
    %get3A_33 = arith.constant 0 : index
    %get3A_34 = vector.load %arg5[%get3A_32, %get3A_33] : memref<1000x64xf32, #tpu.memory_space<vmem>>, vector<1000x64xf32>
    %get3A_35 = arith.constant 0 : index
    %get3A_36 = arith.constant 0 : index
    %get3A_37 = vector.load %arg10[%get3A_35, %get3A_36] : memref<64x256xf32, #tpu.memory_space<vmem>>, vector<64x256xf32>
    %dot_general3A_38 = arith.constant dense<0.000000e+00> : vector<1000x256xf32>
    %dot_general3A_39 = tpu.matmul %get3A_34, %get3A_37, %dot_general3A_38 {dimension_numbers = #tpu.dot_dimension_numbers<[1], [0], [0], [1], [0, 0, 1, 1], [], []>, transpose_lhs_hint = false} : vector<1000x64xf32>, vector<64x256xf32>, vector<1000x256xf32> -> vector<1000x256xf32>
    %add3A_40 = arith.addf %add3A_31, %dot_general3A_39 : vector<1000x256xf32>
    %get3A_41 = arith.constant 0 : index
    %get3A_42 = arith.constant 0 : index
    %get3A_43 = vector.load %arg11[%get3A_41, %get3A_42] : memref<1x256xf32, #tpu.memory_space<vmem>>, vector<1x256xf32>
    %add3A_44 = vector.broadcast %get3A_43 : vector<1x256xf32> to vector<1000x256xf32>
    %add3A_45 = arith.addf %add3A_40, %add3A_44 : vector<1000x256xf32>
    %max3A = arith.constant 0.000000e+00 : f32
    %max3A_46 = vector.broadcast %max3A : f32 to vector<1000x256xf32>
    %max3A_47 = arith.maximumf %add3A_45, %max3A_46 : vector<1000x256xf32>
    %swap3A = arith.constant 0 : index
    %swap3A_48 = arith.constant 0 : index
    %swap3A_49 = vector.load %arg12[%swap3A, %swap3A_48] : memref<1000x256xf32, #tpu.memory_space<vmem>>, vector<1000x256xf32>
    tpu.vector_store %arg12[%swap3A, %swap3A_48], %max3A_47 {strides = array<i32>} : memref<1000x256xf32, #tpu.memory_space<vmem>>, vector<1000x256xf32>,
    return
  }
  func.func @transform_0(%arg0: i32) -> (i32, i32) {
    %c0_i32 = arith.constant 0 : i32
    %c0_i32_0 = arith.constant 0 : i32
    return %arg0, %c0_i32 : i32, i32
  }
  func.func @transform_1(%arg0: i32) -> (i32, i32) {
    %c0_i32 = arith.constant 0 : i32
    %c0_i32_0 = arith.constant 0 : i32
    return %arg0, %c0_i32 : i32, i32
  }
  func.func @transform_2(%arg0: i32) -> (i32, i32) {
    %c0_i32 = arith.constant 0 : i32
    %c0_i32_0 = arith.constant 0 : i32
    return %arg0, %c0_i32 : i32, i32
  }
  func.func @transform_3(%arg0: i32) -> (i32, i32) {
    %c0_i32 = arith.constant 0 : i32
    %c0_i32_0 = arith.constant 0 : i32
    return %arg0, %c0_i32 : i32, i32
  }
  func.func @transform_4(%arg0: i32) -> (i32, i32) {
    %c0_i32 = arith.constant 0 : i32
    %c0_i32_0 = arith.constant 0 : i32
    return %arg0, %c0_i32 : i32, i32
  }
  func.func @transform_5(%arg0: i32) -> (i32, i32) {
    %c0_i32 = arith.constant 0 : i32
    %c0_i32_0 = arith.constant 0 : i32
    %c0_i32_1 = arith.constant 0 : i32
    return %c0_i32, %c0_i32_0 : i32, i32
  }
  func.func @transform_6(%arg0: i32) -> (i32, i32) {
    %c0_i32 = arith.constant 0 : i32
    %c0_i32_0 = arith.constant 0 : i32
    %c0_i32_1 = arith.constant 0 : i32
    return %c0_i32, %c0_i32_0 : i32, i32
  }
  func.func @transform_7(%arg0: i32) -> (i32, i32) {
    %c0_i32 = arith.constant 0 : i32
    %c0_i32_0 = arith.constant 0 : i32
    %c0_i32_1 = arith.constant 0 : i32
    return %c0_i32, %c0_i32_0 : i32, i32
  }
  func.func @transform_8(%arg0: i32) -> (i32, i32) {
    %c0_i32 = arith.constant 0 : i32
    %c0_i32_0 = arith.constant 0 : i32
    %c0_i32_1 = arith.constant 0 : i32
    return %c0_i32, %c0_i32_0 : i32, i32
  }
  func.func @transform_9(%arg0: i32) -> (i32, i32) {
    %c0_i32 = arith.constant 0 : i32
    %c0_i32_0 = arith.constant 0 : i32
    %c0_i32_1 = arith.constant 0 : i32
    return %c0_i32, %c0_i32_0 : i32, i32
  }
  func.func @transform_10(%arg0: i32) -> (i32, i32) {
    %c0_i32 = arith.constant 0 : i32
    %c0_i32_0 = arith.constant 0 : i32
    %c0_i32_1 = arith.constant 0 : i32
    return %c0_i32, %c0_i32_0 : i32, i32
  }
  func.func @transform_11(%arg0: i32) -> (i32, i32) {
    %c0_i32 = arith.constant 0 : i32
    %c0_i32_0 = arith.constant 0 : i32
    return %arg0, %c0_i32 : i32, i32
  }
}

</mosaic_0001>

<sc_bundles>
// kernel: kernel.6.cloned.1.call-start
scs
__scs_entry_jumppad:
0x0: {  	(pc) =	sbr.rel $0x88, $3  }
0x1: {  	(tag) =	ssettag $0x0;
	lr =	simm.s32 $0x1  }
0x2: {  	[smem:$0x3F92] =	sst lr;
	_ =	strace $0xD0000000  }
0x3: {  	_ = 	snop  }
0x4: {  	_ = 	snop  }
0x5: {  	_ = 	snop  }
0x6: {  	_ = 	snop  }
0x7: {  	_ = 	snop  }
__scs_overlays_trampoline_lowered:
0x8: {  	[smem:$0x3FA1] =	sst s0  }
0x9: {  	[smem:$0x3FA2] =	sst s1  }
0xa: {  	[smem:$0x3FA3] =	sst s2  }
0xb: {  	[smem:$0x3FA4] =	sst s3  }
0xc: {  	[smem:$0x3FA5] =	sst s4  }
0xd: {  	[smem:$0x3FA6] =	sst s5  }
0xe: {  	[smem:$0x3FA7] =	sst s6  }
0xf: {  	[smem:$0x3FA8] =	sst s7  }
0x10: {  	[smem:$0x3FA9] =	sst s8  }
0x11: {  	[smem:$0x3FAA] =	sst s9;
	s0 =	simm.s32 @!p0 $0x0  }
0x12: {  	s1 =	sld [smem:$0x3F90];
	s0 =	simm.s32 @p0 $0x1  }
0x13: {  	[smem:$0x3FAB] =	sst s0;
	s0 =	simm.s32 @!p1 $0x0  }
0x14: {  	s2 =	sld [smem:$0x3F8F];
	s0 =	simm.s32 @p1 $0x1  }
0x15: {  	[smem:$0x3FAC] =	sst s0;
	s0 =	simm.s32 @!p2 $0x0  }
0x16: {  	s3 =	sld [smem:$0x3FDB];
	s0 =	simm.s32 @p2 $0x1  }
0x17: {  	s4 =	simm.s32 $0x1BF5;
	[smem:$0x3FAE] =	sst s0  }
0x18: {  	s0 =	sld [smem:$0x3F91];
	_ =	swait.ge [sflag:s4], $0x0  }
0x19: {  	s7 =	sld [smem:$0x3F92]  }
0x1a: {  	s8 =	sadd.s32 $0xFFFFE003, lr  }
0x1b: {  	s9 =	sadd.s32 $0xFFFFFEF7, lr;
	s5 =	simm.s32 $0xFFFFFFFF;
	p2 =	slt.u32 s8, $0xFFFFF086  }
0x1c: {  	p1 =	slt.u32 s9, $0xF7A;
	s5 =	simm.s32 @!p2 $0x0  }
0x1d: {  	s5 =	simm.s32 @p1 $0x1;
	p0 =	seq.s32 s7, s2  }
0x1e: {  	s7 =	smul.u32 @!p0 $0xF7A, s2;
	p2 =	seq.s32 @!p0 s5, $0x0  }
0x1f: {  	s9 =	smul.u32 $0xF7A, s1;
	s8 =	simm.s32 @!p0 $0x1BF5;
	p2 =	por !p2, p0  }
0x20: {  	[sflag:s8] =	ssyncset.s32 @!p0 $0xFFFFF086;
	s6 =	sadd.s32 @!p0 s3, s7;
	s7 =	simm.s32 @!p0 $0x108  }
0x21: {  	s3 =	sadd.s32 s3, s9;
	s6 =	sadd.s32 @!p0 $0x88, s6;
	s7 =	simm.s32 @p2 $0x1082  }
0x22: {  	[simem:s7], [sflag:s8] =	dma.local @!p0 [hbm:s6], $0xF7A  }
0x23: {  	s9 =	sor.u32 $0xD0000000, s2;
	s6 =	simm.s32 $0x108;
	_ =	swait.ge @!p0 [sflag:s8], $0x0  }
0x24: {  	s3 =	sadd.s32 $0x88, s3;
	s6 =	simm.s32 @!p1 $0x1082;
	[sflag:s4] =	ssyncset.s32 $0xFFFFF086  }
0x25: {  	[simem:s6], [sflag:s4] =	dma.local [hbm:s3], $0xF7A  }
0x26: {  	[smem:$0x3F92] =	sst s1;
	(tag) =	ssettag s2;
	_ =	strace s9  }
0x27: {  	s1 =	sld [smem:$0x3FA2]  }
0x28: {  	s2 =	sld [smem:$0x3FA3]  }
0x29: {  	s4 =	sld [smem:$0x3FA5]  }
0x2a: {  	p0 =	seq.s32 s5, $0x0;
	s5 =	sld [smem:$0x3FA6]  }
0x2b: {  	s6 =	sld [smem:$0x3FA7]  }
0x2c: {  	s7 =	sld [smem:$0x3FA8]  }
0x2d: {  	s3 =	simm.s32 $0x108;
	s8 =	sld [smem:$0x3FA9]  }
0x2e: {  	s3 =	simm.s32 @!p0 $0x1082;
	s9 =	sld [smem:$0x3FAA]  }
0x2f: {  	lr =	sadd.s32 s0, s3;
	s0 =	sld [smem:$0x3FA1]  }
0x30: {  	s3 =	sld [smem:$0x3FA4]  }
0x31: {  	[smem:$0x3FAD] =	sst s10  }
0x32: {  	s10 =	sld [smem:$0x3FAB];
	_ =	sdelay $0x3  }
0x33: {  	p0 =	seq.s32 s10, $0x1;
	s10 =	sld [smem:$0x3FAD];
	_ =	sdelay $0x3  }
0x34: {  	[smem:$0x3FAD] =	sst s10  }
0x35: {  	s10 =	sld [smem:$0x3FAC];
	_ =	sdelay $0x3  }
0x36: {  	p1 =	seq.s32 s10, $0x1;
	s10 =	sld [smem:$0x3FAD];
	_ =	sdelay $0x3  }
0x37: {  	[smem:$0x3FAD] =	sst s10  }
0x38: {  	s10 =	sld [smem:$0x3FAE]  }
0x39: {  	_ = 	snop;
	(pc) =	sbr.ind lr, $3  }
0x3a: {  	_ = 	snop  }
0x3b: {  	_ = 	snop  }
0x3c: {  	p2 =	seq.s32 s10, $0x1;
	s10 =	sld [smem:$0x3FAD]  }
0x3d: {  	_ =	shalt  }
0x3e: {  	_ =	shalt  }
0x3f: {  	_ =	shalt  }
0x40: {  	_ =	shalt  }
0x41: {  	_ =	shalt  }
0x42: {  	_ =	shalt  }
0x43: {  	_ =	shalt  }
0x44: {  	_ =	shalt  }
0x45: {  	_ =	shalt  }
0x46: {  	_ =	shalt  }
0x47: {  	_ =	shalt  }
0x48: {  	_ =	shalt  }
0x49: {  	_ =	shalt  }
0x4a: {  	_ =	shalt  }
0x4b: {  	_ =	shalt  }
0x4c: {  	_ =	shalt  }
0x4d: {  	_ =	shalt  }
0x4e: {  	_ =	shalt  }
0x4f: {  	_ =	shalt  }
0x50: {  	_ =	shalt  }
0x51: {  	_ =	shalt  }
0x52: {  	_ =	shalt  }
0x53: {  	_ =	shalt  }
0x54: {  	_ =	shalt  }
0x55: {  	_ =	shalt  }
0x56: {  	_ =	shalt  }
0x57: {  	_ =	shalt  }
0x58: {  	_ =	shalt  }
0x59: {  	_ =	shalt  }
0x5a: {  	_ =	shalt  }
0x5b: {  	_ =	shalt  }
0x5c: {  	_ =	shalt  }
0x5d: {  	_ =	shalt  }
0x5e: {  	_ =	shalt  }
0x5f: {  	_ =	shalt  }
0x60: {  	_ =	shalt  }
0x61: {  	_ =	shalt  }
0x62: {  	_ =	shalt  }
0x63: {  	_ =	shalt  }
0x64: {  	_ =	shalt  }
0x65: {  	_ =	shalt  }
0x66: {  	_ =	shalt  }
0x67: {  	_ =	shalt  }
0x68: {  	_ =	shalt  }
0x69: {  	_ =	shalt  }
0x6a: {  	_ =	shalt  }
0x6b: {  	_ =	shalt  }
0x6c: {  	_ =	shalt  }
0x6d: {  	_ =	shalt  }
0x6e: {  	_ =	shalt  }
0x6f: {  	_ =	shalt  }
0x70: {  	_ =	shalt  }
0x71: {  	_ =	shalt  }
0x72: {  	_ =	shalt  }
0x73: {  	_ =	shalt  }
0x74: {  	_ =	shalt  }
0x75: {  	_ =	shalt  }
0x76: {  	_ =	shalt  }
0x77: {  	_ =	shalt  }
0x78: {  	_ =	shalt  }
0x79: {  	_ =	shalt  }
0x7a: {  	_ =	shalt  }
0x7b: {  	_ =	shalt  }
0x7c: {  	_ =	shalt  }
0x7d: {  	_ =	shalt  }
0x7e: {  	_ =	shalt  }
0x7f: {  	_ =	shalt  }
0x80: {  	_ =	shalt  }
0x81: {  	_ =	shalt  }
0x82: {  	_ =	shalt  }
0x83: {  	_ =	shalt  }
0x84: {  	_ =	shalt  }
0x85: {  	_ =	shalt  }
0x86: {  	_ =	shalt  }
0x87: {  	_ =	shalt  }
.Lfunc_end0:
.L_simem_size_0:
called_computation_lowered:
.L_overlay_start_0:
0x88: {  	s2 =	sld [smem:$0x3FD9]  }
0x89: {  	s3 =	sld [smem:$0x3FFE];
	_ =	sdelay $0x1  }
0x8a: {  	s1 =	srdreg.scid  }
0x8b: {  	s0 =	sand.u32 $0x1, s1  }
0x8c: {  	s17 =	sshll.u32 s0, $0xA;
	s2 =	sadd.s32 s3, s2  }
0x8d: {  	s2 =	sadd.s32 s2, s17  }
0x8e: {  	[smem:$0x3FB9] =	sst s2  }
0x8f: {  	_ = 	snop  }
0x90: {  	s18 =	sld [smem:$0x3FC7]  }
0x91: {  	s4 =	sld [smem:$0x3FD0];
	(tm) =	ssettm $0x1  }
0x92: {  	s19 =	sld [smem:$0x3FFB];
	_ =	sdelay $0x3  }
0x93: {  	_ =	strace s19  }
0x94: {  	s2 =	sld [smem:$0x3FFC];
	_ =	sdelay $0x3  }
0x95: {  	_ =	strace s2  }
0x96: {  	s2 =	sld [smem:$0x3FFD];
	_ =	sdelay $0x3  }
0x97: {  	_ =	strace s2  }
0x98: {  	_ =	strace $0x8FFFFFFF  }
0x99: {  	s20 =	sld [smem:$0x3FDB];
	_ =	sdelay $0x1  }
0x9a: {  	s5 =	simm.s32 $_scs_section_size  }
0x9b: {  	s6 =	simm.s32 $_size__tile_overlayer_lowered;
	s7 =	simm.s32 $_tile_overlayer_lowered  }
0x9c: {  	s8 =	simm.s32 $0x1BFF;
	s21 =	sshll.u32 s7, $0x1;
	s5 =	sadd.s32 s5, s20  }
0x9d: {  	s22 =	simm.s32 $0x0;
	s6 =	sshll.u32 s6, $0x1;
	s7 =	sadd.s32 s21, s5  }
0x9e: {  	[timem:s22], [sflag:s8] =	dma.local [hbm:s7], s6  }
0x9f: {  	_ =	swait.ge [sflag:s8], s6  }
0xa0: {  	s6 =	ssub.s32 $0x0, s6;
	[sflag:s8] =	ssyncset.done $0x0  }
0xa1: {  	[sflag:s8] =	ssyncadd.s32 s6;
	_ =	sdelay $0x1  }
0xa2: {  	s23 =	simm.s32 $0x1B8B  }
0xa3: {  	_ =	swait.ge [sflag:s23], $0x1  }
0xa4: {  	[sflag:s23] =	ssyncset.done $0x0  }
0xa5: {  	[sflag:s23] =	ssyncadd.s32 $0xFFFFFFFF  }
0xa6: {  	s6 =	sld [smem:$0x0]  }
0xa7: {  	s7 =	sand.u32 $0xFFFFFFFE, s1  }
0xa8: {  	p0 =	sne.s32 s1, s7  }
0xa9: {  	s7 =	sshll.u32 @p0 s7, $0xE  }
0xaa: {  	s7 =	sadd.s32 @p0 $0x11B8D, s7;
	s8 =	sshll.u32 @p0 s6, $0x11  }
0xab: {  	s7 =	sor.u32 @p0 s8, s7  }
0xac: {  	[sflag:s7] =	ssyncadd.remote.s32 @p0 $0x1;
	_ =	sdelay $0x1  }
0xad: {  	s7 =	simm.s32 @p0 $0x1B8D  }
0xae: {  	_ =	swait.eq @p0 [sflag:s7], $0x1  }
0xaf: {  	[sflag:s7] =	ssyncadd.s32 @p0 $0xFFFFFFFF  }
0xb0: {  	s8 =	sshll.u32 @!p0 s1, $0xE  }
0xb1: {  	s8 =	sor.u32 @!p0 $0x4000, s8;
	s7 =	simm.s32 @!p0 $0x1B8D  }
0xb2: {  	s6 =	sshll.u32 @!p0 s6, $0x11;
	s8 =	sadd.s32 @!p0 $0x11B8D, s8;
	_ =	swait.eq @!p0 [sflag:s7], $0x1  }
0xb3: {  	s6 =	sor.u32 @!p0 s6, s8;
	[sflag:s7] =	ssyncadd.s32 @!p0 $0xFFFFFFFF  }
0xb4: {  	s25 =	simm.s32 $0x1B8E;
	s24 =	sld [smem:$0x3FFE];
	[sflag:s6] =	ssyncadd.remote.s32 @!p0 $0x1  }
0xb5: {  	s26 =	simm.s32 $execute0_lowered;
	[smem:$0x3FD2] =	sst s25  }
0xb6: {  	s7 =	sshll.u32 s26, $0x1;
	_ =	strace $0x80000049;
	[dreg:$0x1] =	wrdreg $0xFFFFFFFF  }
0xb7: {  	s28 =	simm.s32 $_size_execute0_lowered;
	s5 =	sadd.s32 s5, s7;
	[dreg:$0x0] =	wrdreg $0x0  }
0xb8: {  	s7 =	sshll.u32 s28, $0x1;
	[dreg:$0x2] =	wrdreg s5  }
0xb9: {  	[dreg:$0x3] =	wrdreg s7  }
0xba: {  	[dreg:$0x4] =	wrdreg $0xC0  }
0xbb: {  	_ =	task [dreg:s22], $0x5FFFF  }
0xbc: {  	[dreg:$0x1] =	wrdreg $0xFFFFFFFF  }
0xbd: {  	[dreg:$0x0] =	wrdreg $0x60  }
0xbe: {  	[dreg:$0x2] =	wrdreg s24  }
0xbf: {  	[dreg:$0x3] =	wrdreg s18  }
0xc0: {  	[dreg:$0x4] =	wrdreg s4  }
0xc1: {  	[dreg:$0x5] =	wrdreg $0xB6300  }
0xc2: {  	[dreg:$0x6] =	wrdreg $0x156300  }
0xc3: {  	[dreg:$0x7] =	wrdreg $0x9  }
0xc4: {  	_ =	task.clear_ibuf [dreg:s22], $0x8FFFF;
	_ =	strace $0x90000049  }
0xc5: {  	s29 =	simm.s32 $0x9;
	_ =	strace $0x8000004B  }
0xc6: {  	_ =	swait.ge [sflag:s29], $0x1  }
0xc7: {  	[sflag:s29] =	ssyncadd.s32 $0xFFFFFFFF  }
0xc8: {  	_ =	strace $0x9000004B  }
0xc9: {  	_ =	sfence  }
0xca: {  	s30 =	sld [smem:$0x0];
	_ =	sdelay $0x2  }
0xcb: {  	s31 =	sshll.u32 s1, $0xD;
	s1 =	sshrl.u32 s1, $0x2  }
0xcc: {  	s4 =	sand.u32 $0x4000, s31;
	s1 =	sadd.s32 s1, s30  }
0xcd: {  	s0 =	sor.u32 s4, s0;
	s1 =	sshll.u32 s1, $0x11  }
0xce: {  	s0 =	sor.u32 s1, s0  }
0xcf: {  	s0 =	sadd.s32 $0x8F2B, s0  }
0xd0: {  	[sflag:s0] =	ssyncadd.remote.s32 $0x1  }
0xd1: {  	_ =	sfence.sel $0xFFFF  }
0xd2: {  	[dreg:$0x0] =	wrdreg $0xFFFFFFFF;
	(pc) =	sbr.abs _section_cstart, $3  }
0xd3: {  	[dreg:$0x1] =	wrdreg $0xFFFFFFFF  }
0xd4: {  	_ =	task.clear_ibuf [dreg:s22], $0x2FFFF;
	_ =	strace $0x9FFFFFFF  }
0xd5: {  	(tm) =	ssettm $0x7FFFFFFF  }
tec
execute0_lowered:
.L_overlay_start_1:
0x0: {  	(tag) =	ssettag $0x1  }
0x1: {  	s0 =	rddreg [dreg:$0x0]  }
0x2: {  	s1 =	rddreg [dreg:$0x1]  }
0x3: {  	s5 =	rddreg [dreg:$0x2]  }
0x4: {  	s2 =	rddreg [dreg:$0x3]  }
0x5: {  	s3 =	rddreg [dreg:$0x4];
	s13 =	stileid.u32  }
0x6: {  	s4 =	simm.s32 $0x0;
	s8 =	srdreg.scid;
	s17 =	simm.s32 $0x2  }
0x7: {  	s19 =	simm.s32 $0x2710;
	s21 =	simm.s32 $0x8930;
	s28 =	simm.s32 $0x8E30  }
0x8: {  	s29 =	simm.s32 $0xAE30;
	s30 =	simm.s32 $0x0;
	s6 =	smul.u32 $0x4E2, s13  }
0x9: {  	[smem:$0x7FF] =	sst s4;
	s9 =	sadd.s32 $0x33C00, s0;
	s22 =	sadd.s32 $0x33600, s0  }
0xa: {  	s14 =	sand.u32 $0x1, s8;
	s23 =	sadd.s32 $0x33400, s0;
	s10 =	smul.u32 $0x28000, s13  }
0xb: {  	s8 =	sadd.s32 $0x84400, s0;
	_ =	strace $0x8000004A;
	[dreg:$0x6] =	wrdreg s9  }
0xc: {  	s12 =	smul.u32 $0xA000, s13;
	s25 =	sshll.u32 s13, $0x6;
	[dreg:$0x7] =	wrdreg s22  }
0xd: {  	[dreg:$0x8] =	wrdreg s23;
	s24 =	ssub.s32 $0x2, s14;
	s9 =	smul.u32 $0x280, s13  }
0xe: {  	p1 =	seq.s32 s14, $0x1;
	p0 =	seq.s32 s14, $0x0;
	s22 =	simm.s32 $0x50  }
0xf: {  	s23 =	simm.s32 $0x7530;
	s7 =	sadd.s32 s6, s0;
	s11 =	sshrl.u32 s24, $0x1  }
0x10: {  	s10 =	sshrl.u32 s10, $0x2;
	s26 =	sshrl.u32 s12, $0x2;
	s12 =	sadd.s32 s1, s6  }
0x11: {  	s1 =	simm.s32 $0x70A00;
	s8 =	smov.u32 @p0 s5;
	s15 =	ssub.s32 s24, s11  }
0x12: {  	s16 =	sadd.s32 s10, s2;
	s10 =	sor.u32 $0x1C02, s25;
	s18 =	sadd.s32 s26, s3  }
0x13: {  	s31 =	sadd.s32 $0x7000, s7;
	s13 =	sadd.s32 $0x2000, s7;
	s1 =	simm.s32 @!p1 $0x5D000  }
0x14: {  	s24 =	simm.s32 $0x3;
	s25 =	simm.s32 $0x1;
	s26 =	simm.s32 $0x3  }
0x15: {  	[dreg:$0x9] =	wrdreg s31;
	s14 =	smax.u32 s15, $0x1;
	s15 =	sadd.s32 s1, s0  }
0x16: {  	s16 =	sshrl.u32 s16, $0x3;
	s18 =	sshrl.u32 s18, $0x3;
	s24 =	simm.s32 @!p0 $0x2  }
.LBB2_1:
0x17: {  	s0 =	rddreg [dreg:$0x6]  }
0x18: {  	[spmem:s16], [sflag:s10] =	dma.local [hbm:s0], $0x1400  }
0x19: {  	_ =	swait.ge [sflag:s17], $0x1400  }
0x1a: {  	[sflag:s17] =	ssyncset.done $0x0  }
0x1b: {  	s6 =	rddreg [dreg:$0x7];
	[sflag:s17] =	ssyncadd.s32 $0xFFFFEC00  }
0x1c: {  	[spmem:s18], [sflag:s10] =	dma.local [hbm:s6], $0x500  }
0x1d: {  	_ =	swait.ge [sflag:s17], $0x500  }
0x1e: {  	[sflag:s17] =	ssyncset.done $0x0  }
0x1f: {  	s7 =	rddreg [dreg:$0x9];
	[sflag:s17] =	ssyncadd.s32 $0xFFFFFB00  }
0x20: {  	[tilespmem:s4], [sflag:$0x2] =	stream.linear.gather [hbm4b:s7+s4], $0x2710, $0x38;
	[tilespmem:$0x17E30] =	vst v63  }
0x21: {  	_ =	swait.ge [sflag:s17], $0x2710  }
0x22: {  	[sflag:s17] =	ssyncset.done $0x0  }
0x23: {  	[sflag:s17] =	ssyncadd.s32 $0xFFFFD8F0  }
0x24: {  	[tilespmem:s19], [sflag:$0x2] =	stream.linear.gather [hbm4b:s12+s4], $0x2710, $0x38;
	[tilespmem:$0x17E30] =	vst v63  }
0x25: {  	_ =	swait.ge [sflag:s17], $0x2710  }
0x26: {  	[sflag:s17] =	ssyncset.done $0x0  }
0x27: {  	s11 =	simm.s32 $0x4E20;
	[sflag:s17] =	ssyncadd.s32 $0xFFFFD8F0  }
0x28: {  	[tilespmem:s11], [sflag:$0x2] =	stream.linear.gather [hbm4b:s13+s4], $0x2710, $0x38;
	[tilespmem:$0x17E30] =	vst v63  }
0x29: {  	_ =	swait.ge [sflag:s17], $0x2710  }
0x2a: {  	[sflag:s17] =	ssyncset.done $0x0  }
0x2b: {  	s20 =	rddreg [dreg:$0x8];
	[sflag:s17] =	ssyncadd.s32 $0xFFFFD8F0  }
0x2c: {  	[tilespmem:s21], [sflag:$0x2] =	stream.linear.gather [hbm4b:s20+s4], $0x500, $0x38;
	[tilespmem:$0x17E30] =	vst v63  }
0x2d: {  	_ =	swait.ge [sflag:s17], $0x500  }
0x2e: {  	[sflag:s17] =	ssyncset.done $0x0  }
0x2f: {  	[sflag:s17] =	ssyncadd.s32 $0xFFFFFB00  }
0x30: {  	s31 =	simm.s32 $0x0;
	s0 =	simm.s32 $0x0;
	[bflag:$0x0] =	sbarrier.arrive $0xFFFF  }
.LBB2_2:
0x31: {  	s5 =	sadd.s32 $0xFFFFFFFE, s31  }
0x32: {  	s1 =	sadd.s32 $0x2, s5  }
0x33: {  	v0 =	vmov s1  }
0x34: {  	s1 =	smul.u32 $0x50, s0;
	v0 =	vand.u32 $0xFFFFFFFE, v0  }
0x35: {  	v0 =	vbroadcast v0, $0x0  }
0x36: {  	[tilespmem:s23], [sflag:$0x1] =	stream.indirect.gather [hbm4b:s15+s22], $0x40, s1, s22, $0xb8;
	[tilespmem:$0x17E30] =	vst v63  }
0x37: {  	_ =	swait.ge [sflag:s25], $0x1400  }
0x38: {  	[sflag:s25] =	ssyncset.done $0x0  }
0x39: {  	s20 =	simm.s32 $0x7570;
	[sflag:s25] =	ssyncadd.s32 $0xFFFFEC00  }
0x3a: {  	v1 =	vld [tilespmem:s20+$0xFFFFFFF0]  }
0x3b: {  	v0 =	vld.idx.msk [tilespmem:v0+s19+$0x0], $0xffff  }
0x3c: {  	v2 =	vld [tilespmem:s20+$0xFFFFFFC0]  }
0x3d: {  	v3 =	vld [tilespmem:s20+$0xFFFFFFD0]  }
0x3e: {  	v4 =	vld [tilespmem:s20+$0xFFFFFFE0];
	_ =	sdelay $0x1  }
0x3f: {  	s5 =	sadd.s32 $0x3, s5;
	v1 =	vmul.f32 v1, v0  }
0x40: {  	v5 =	vmov s5;
	v2 =	vmul.f32 v2, v0  }
0x41: {  	v3 =	vmul.f32 v3, v0;
	[tilespmem:s20+$0xFFFFFFF0] =	vst v1  }
0x42: {  	v0 =	vmul.f32 v4, v0;
	[tilespmem:s20+$0xFFFFFFC0] =	vst v2  }
0x43: {  	[tilespmem:s20+$0xFFFFFFD0] =	vst v3;
	v1 =	vld [tilespmem:s20+$0x30]  }
0x44: {  	[tilespmem:s20+$0xFFFFFFE0] =	vst v0;
	v2 =	vld [tilespmem:s20+$0x0]  }
0x45: {  	v0 =	vld.idx.msk [tilespmem:v5+s19+$0x0], $0xffff  }
0x46: {  	s7 =	sadd.s32 $0x0, s31;
	v3 =	vld [tilespmem:s20+$0x10]  }
0x47: {  	s11 =	sadd.s32 $0x2, s7;
	v4 =	vld [tilespmem:s20+$0x20]  }
0x48: {  	s6 =	simm.s32 $0x2;
	s7 =	sadd.s32 $0x3, s7;
	s5 =	simm.s32 $0x7570;
	v5 =	vmov s11  }
.LBB2_3:
0x49: {  	v5 =	vand.u32 $0xFFFFFFFE, v5;
	s20 =	sadd.s32 $0x80, s20;
	s11 =	smov.u32 s6;
	s6 =	sadd.s32 $0x2, s6  }
0x4a: {  	p0 =	slt.u32 s6, $0x4E;
	v5 =	vbroadcast v5, $0x0;
	v2 =	vmul.f32 v2, v0  }
0x4b: {  	v1 =	vmul.f32 v1, v0;
	v3 =	vmul.f32 v3, v0  }
0x4c: {  	[tilespmem:s5+$0x0] =	vst v2;
	v0 =	vmul.f32 v4, v0  }
0x4d: {  	[tilespmem:s5+$0x30] =	vst v1  }
0x4e: {  	v1 =	vld [tilespmem:s20+$0xFFFFFFF0];
	[tilespmem:s5+$0x10] =	vst v3  }
0x4f: {  	v2 =	vld [tilespmem:s20+$0xFFFFFFD0];
	[tilespmem:s5+$0x20] =	vst v0;
	s5 =	smov.u32 s20  }
0x50: {  	v0 =	vld.idx.msk [tilespmem:v5+s19+$0x0], $0xffff  }
0x51: {  	v3 =	vld [tilespmem:s20+$0xFFFFFFC0]  }
0x52: {  	v4 =	vld [tilespmem:s20+$0xFFFFFFE0];
	_ =	sdelay $0x3  }
0x53: {  	v1 =	vmul.f32 v1, v0;
	v3 =	vmul.f32 v3, v0  }
0x54: {  	v2 =	vmul.f32 v2, v0;
	v0 =	vmul.f32 v4, v0;
	v4 =	vmov s7  }
0x55: {  	[tilespmem:s20+$0xFFFFFFF0] =	vst v1  }
0x56: {  	[tilespmem:s20+$0xFFFFFFC0] =	vst v3  }
0x57: {  	[tilespmem:s20+$0xFFFFFFD0] =	vst v2  }
0x58: {  	[tilespmem:s20+$0xFFFFFFE0] =	vst v0;
	v1 =	vld [tilespmem:s20+$0x30]  }
.Ltmp0:
0x59: {  	v0 =	vld.idx.msk [tilespmem:v4+s19+$0x0], $0xffff;
	(pc) =	sbr.rel @p0 .LBB2_3-.Ltmp0, $4  }
0x5a: {  	v2 =	vld [tilespmem:s20+$0x0]  }
0x5b: {  	s7 =	sadd.s32 s11, s31;
	v3 =	vld [tilespmem:s20+$0x10]  }
0x5c: {  	s11 =	sadd.s32 $0x2, s7;
	s7 =	sadd.s32 $0x3, s7;
	v4 =	vld [tilespmem:s20+$0x20]  }
0x5d: {  	v5 =	vmov s11  }
0x5e: {  	v5 =	vand.u32 $0xFFFFFFFE, v5  }
0x5f: {  	v1 =	vmul.f32 v1, v0;
	v5 =	vbroadcast v5, $0x0  }
0x60: {  	v2 =	vmul.f32 v2, v0  }
0x61: {  	v3 =	vmul.f32 v3, v0;
	[tilespmem:s5+$0x30] =	vst v1  }
0x62: {  	s6 =	sadd.s32 $0x80, s20;
	[tilespmem:s5+$0x0] =	vst v2;
	v54 =	vmul.f32 v4, v0  }
0x63: {  	v55 =	vld [tilespmem:s6+$0xFFFFFFF0];
	[tilespmem:s5+$0x10] =	vst v3  }
0x64: {  	[tilespmem:s5+$0x20] =	vst v54  }
0x65: {  	v0 =	vld.idx.msk [tilespmem:v5+s19+$0x0], $0xffff  }
0x66: {  	v56 =	vld [tilespmem:s6+$0xFFFFFFC0]  }
0x67: {  	v57 =	vld [tilespmem:s6+$0xFFFFFFD0]  }
0x68: {  	v58 =	vld [tilespmem:s6+$0xFFFFFFE0];
	_ =	sdelay $0x1  }
0x69: {  	v1 =	vmul.f32 v55, v0  }
0x6a: {  	v59 =	vmov s7;
	v2 =	vmul.f32 v56, v0  }
0x6b: {  	v3 =	vmul.f32 v57, v0;
	[tilespmem:s6+$0xFFFFFFF0] =	vst v1  }
0x6c: {  	v0 =	vmul.f32 v58, v0;
	[tilespmem:s6+$0xFFFFFFC0] =	vst v2  }
0x6d: {  	[tilespmem:s6+$0xFFFFFFD0] =	vst v3  }
0x6e: {  	v60 =	vld [tilespmem:s6+$0x0];
	[tilespmem:s6+$0xFFFFFFE0] =	vst v0  }
0x6f: {  	v0 =	vld.idx.msk [tilespmem:v59+s19+$0x0], $0xffff  }
0x70: {  	v61 =	vld [tilespmem:s6+$0x30]  }
0x71: {  	v62 =	vld [tilespmem:s6+$0x10]  }
0x72: {  	v63 =	vld [tilespmem:s6+$0x20];
	_ =	sdelay $0x1  }
0x73: {  	v1 =	vmul.f32 v60, v0  }
0x74: {  	v2 =	vmul.f32 v61, v0  }
0x75: {  	v3 =	vmul.f32 v62, v0;
	[tilespmem:s6+$0x0] =	vst v1  }
0x76: {  	v0 =	vmul.f32 v63, v0;
	[tilespmem:s6+$0x30] =	vst v2  }
0x77: {  	[tilespmem:s6+$0x10] =	vst v3  }
0x78: {  	s1 =	sadd.s32 $0x4E20, s1;
	[tilespmem:s6+$0x20] =	vst v0  }
0x79: {  	[spmem:s2] =	stream.indirect.scatter.add.f32 [tilespmem:s23], [sflag:$0x2], $0x40, s1, s22, $0xb8;
	[tilespmem:$0x17E30] =	vst v63  }
0x7a: {  	s0 =	sadd.s32 $0x1, s0;
	_ =	swait.ge [sflag:s17], $0x1400  }
0x7b: {  	p0 =	sne.s32 s0, $0x7D;
	[sflag:s17] =	ssyncset.done $0x0  }
.Ltmp1:
0x7c: {  	[sflag:s17] =	ssyncadd.s32 $0xFFFFEC00;
	(pc) =	sbr.rel @p0 .LBB2_2-.Ltmp1, $4  }
0x7d: {  	[spmem:s3] =	stream.indirect.scatter.add.f32 [tilespmem:s21], [sflag:$0x2], $0x10, s1, s22, $0xb8;
	[tilespmem:$0x17E30] =	vst v63  }
0x7e: {  	_ =	swait.ge [sflag:s17], $0x500  }
0x7f: {  	[sflag:s17] =	ssyncset.done $0x0  }
0x80: {  	s31 =	sadd.s32 $0x50, s31;
	[sflag:s17] =	ssyncadd.s32 $0xFFFFFB00  }
0x81: {  	[bflag:$0x0] =	sbarrier.arrive $0xFFFF;
	s0 =	simm.s32 $0x0  }
.LBB2_6:
0x82: {  	s1 =	sshll.u32 s0, $0x7  }
0x83: {  	s1 =	sadd.s32 s9, s1  }
0x84: {  	s5 =	sshll.u32 s1, $0x6  }
0x85: {  	s5 =	sand.u32 $0x3FFFFFC0, s5  }
0x86: {  	s5 =	sadd.s32 s5, s2  }
0x87: {  	[tilespmem:s28], [sflag:$0x3] =	stream.linear.gather [spmem:s5], $0x2000, $0x38;
	[tilespmem:$0x17E30] =	vst v63  }
0x88: {  	s20 =	sshll.u32 s1, $0x4;
	_ =	swait.ge [sflag:s26], $0x2000  }
0x89: {  	s5 =	sand.u32 $0x3FFFFFF0, s20;
	[sflag:s26] =	ssyncset.done $0x0  }
0x8a: {  	s5 =	sadd.s32 s5, s3;
	[sflag:s26] =	ssyncadd.s32 $0xFFFFE000  }
0x8b: {  	[tilespmem:s29], [sflag:$0x3] =	stream.linear.gather [spmem:s5], $0x800, $0x38;
	[tilespmem:$0x17E30] =	vst v63  }
0x8c: {  	_ =	swait.ge [sflag:s26], $0x800  }
0x8d: {  	[sflag:s26] =	ssyncset.done $0x0  }
0x8e: {  	s31 =	simm.s32 $0xAE40;
	[sflag:s26] =	ssyncadd.s32 $0xFFFFF800  }
0x8f: {  	v0 =	vld [tilespmem:s31+$0xFFFFFFF0];
	_ =	sdelay $0x4  }
0x90: {  	v0 =	vmax.f32 v0, $1.000000000e+00  }
0x91: {  	(erf) = vrcp.f32 v0;
	_ =	sdelay $0x3  }
0x92: {  	s20 =	simm.s32 $0x8E70  }
0x93: {  	v0 =	vld [tilespmem:s20+$0xFFFFFFF0]  }
0x94: {  	v1 =	vld [tilespmem:s20+$0xFFFFFFC0]  }
0x95: {  	v2 =	vld [tilespmem:s20+$0xFFFFFFD0]  }
0x96: {  	v3 =	vld [tilespmem:s20+$0xFFFFFFE0]  }
0x97: {  	v4 =	vpop (erf)  }
0x98: {  	v0 =	vmul.f32 v0, v4  }
0x99: {  	v1 =	vmul.f32 v4, v1  }
0x9a: {  	v2 =	vmul.f32 v2, v4;
	[tilespmem:s20+$0xFFFFFFF0] =	vst v0  }
0x9b: {  	v0 =	vmul.f32 v3, v4;
	[tilespmem:s20+$0xFFFFFFC0] =	vst v1  }
0x9c: {  	[tilespmem:s20+$0xFFFFFFD0] =	vst v2  }
0x9d: {  	[tilespmem:s20+$0xFFFFFFE0] =	vst v0  }
0x9e: {  	v2 =	vld [tilespmem:s31+$0x0];
	_ =	sdelay $0x4  }
0x9f: {  	v3 =	vmax.f32 v2, $1.000000000e+00  }
0xa0: {  	(erf) = vrcp.f32 v3;
	_ =	sdelay $0x2  }
0xa1: {  	v1 =	vld [tilespmem:s20+$0x0]  }
0xa2: {  	v0 =	vld [tilespmem:s20+$0x30]  }
0xa3: {  	v2 =	vld [tilespmem:s20+$0x10]  }
0xa4: {  	s6 =	simm.s32 $0x0;
	s5 =	simm.s32 $0x8E70;
	v3 =	vld [tilespmem:s20+$0x20]  }
.LBB2_7:
0xa5: {  	_ =	sdelay $0x1  }
0xa6: {  	s6 =	sadd.s32 $0x2, s6;
	s31 =	sadd.s32 $0x20, s31;
	s20 =	sadd.s32 $0x80, s20;
	v4 =	vpop (erf)  }
0xa7: {  	p0 =	slt.u32 s6, $0x7E;
	v1 =	vmul.f32 v4, v1;
	v2 =	vmul.f32 v2, v4  }
0xa8: {  	v0 =	vmul.f32 v0, v4;
	v3 =	vmul.f32 v3, v4  }
0xa9: {  	[tilespmem:s5+$0x0] =	vst v1  }
0xaa: {  	[tilespmem:s5+$0x10] =	vst v2  }
0xab: {  	[tilespmem:s5+$0x30] =	vst v0  }
0xac: {  	[tilespmem:s5+$0x20] =	vst v3;
	s5 =	smov.u32 s20  }
0xad: {  	v0 =	vld [tilespmem:s31+$0xFFFFFFF0];
	_ =	sdelay $0x4  }
0xae: {  	v0 =	vmax.f32 v0, $1.000000000e+00  }
0xaf: {  	(erf) = vrcp.f32 v0;
	_ =	sdelay $0x2  }
0xb0: {  	v0 =	vld [tilespmem:s20+$0xFFFFFFE0]  }
0xb1: {  	v1 =	vld [tilespmem:s20+$0xFFFFFFF0]  }
0xb2: {  	v2 =	vld [tilespmem:s20+$0xFFFFFFC0]  }
0xb3: {  	v3 =	vld [tilespmem:s20+$0xFFFFFFD0];
	_ =	sdelay $0x2  }
0xb4: {  	v4 =	vpop (erf)  }
0xb5: {  	v2 =	vmul.f32 v4, v2;
	v1 =	vmul.f32 v1, v4  }
0xb6: {  	v0 =	vmul.f32 v0, v4;
	v3 =	vmul.f32 v3, v4  }
0xb7: {  	[tilespmem:s20+$0xFFFFFFF0] =	vst v1  }
0xb8: {  	[tilespmem:s20+$0xFFFFFFC0] =	vst v2  }
0xb9: {  	[tilespmem:s20+$0xFFFFFFD0] =	vst v3  }
0xba: {  	[tilespmem:s20+$0xFFFFFFE0] =	vst v0  }
0xbb: {  	v0 =	vld [tilespmem:s31+$0x0];
	_ =	sdelay $0x4  }
0xbc: {  	v0 =	vmax.f32 v0, $1.000000000e+00  }
0xbd: {  	(erf) = vrcp.f32 v0;
	_ =	sdelay $0x1  }
.Ltmp2:
0xbe: {  	(pc) =	sbr.rel @p0 .LBB2_7-.Ltmp2, $4  }
0xbf: {  	v1 =	vld [tilespmem:s20+$0x0]  }
0xc0: {  	v0 =	vld [tilespmem:s20+$0x30]  }
0xc1: {  	v2 =	vld [tilespmem:s20+$0x10]  }
0xc2: {  	v3 =	vld [tilespmem:s20+$0x20]  }
0xc3: {  	_ =	sdelay $0x1  }
0xc4: {  	v4 =	vpop (erf)  }
0xc5: {  	v1 =	vmul.f32 v4, v1  }
0xc6: {  	v2 =	vmul.f32 v2, v4  }
0xc7: {  	v0 =	vmul.f32 v0, v4;
	[tilespmem:s5+$0x0] =	vst v1  }
0xc8: {  	s0 =	sadd.s32 $0x1, s0;
	v63 =	vmul.f32 v3, v4;
	[tilespmem:s5+$0x10] =	vst v2  }
0xc9: {  	s1 =	sshll.u32 s1, $0x3;
	p0 =	sne.s32 s0, $0x5;
	[tilespmem:s5+$0x30] =	vst v0  }
.Ltmp3:
0xca: {  	s1 =	sadd.s32 s8, s1;
	[tilespmem:s5+$0x20] =	vst v63;
	(pc) =	sbr.rel @p0 .LBB2_6-.Ltmp3, $4  }
0xcb: {  	[hbm4b:s1+s4] =	stream.linear.scatter [tilespmem:s28], [sflag:s24], $0x2000, $0x38;
	[tilespmem:$0x17E30] =	vst v63  }
0xcc: {  	_ =	swait.ge [sflag:s24], $0x2000  }
0xcd: {  	[sflag:s24] =	ssyncset.done $0x0  }
0xce: {  	[sflag:s24] =	ssyncadd.s32 $0xFFFFE000  }
0xcf: {  	s30 =	sadd.s32 $0x1, s30  }
0xd0: {  	p0 =	sne.s32 s30, s14  }
.Ltmp4:
0xd1: {  	_ = 	snop;
	(pc) =	sbr.rel @p0 .LBB2_1-.Ltmp4, $1  }
0xd2: {  	_ =	sdelay $0x3  }
0xd3: {  	_ =	sfence.sel $0x180000  }
0xd4: {  	[bflag:$0x0] =	sbarrier.arrive $0xFFFF  }
0xd5: {  	_ =	strace $0x9000004A  }
0xd6: {  	s0 =	stileid.u32;
	[bflag:$0x2] =	sbarrier.arrive $0xFFFF  }
0xd7: {  	p0 =	sne.s32 s0, $0x0;
	s0 =	rddreg [dreg:$0x5]  }
0xd8: {  	s0 =	sadd.s32 @!p0 $0x100000, s0  }
0xd9: {  	[sflag:s0] =	ssyncadd.tile.s32 @!p0 $0x1;
	_ =	shalt  }
.Lfunc_end2:
_tile_overlayer_lowered:
.L_overlay_start_2:
0xda: {  	(tag) =	ssettag $0x2  }
0xdb: {  	s0 =	rddreg [dreg:$0x0];
	s2 =	stileid.u32  }
0xdc: {  	s1 =	rddreg [dreg:$0x1];
	p0 =	sne.s32 s2, $0x0  }
0xdd: {  	s3 =	rddreg [dreg:$0x2];
	[bflag:$0x3] =	sbarrier.arrive $0xFFFF;
	s2 =	simm.s32 @!p0 $0x1C02  }
0xde: {  	[timem:s3], [sflag:s2] =	dma.local @!p0 [hbm:s0], s1  }
0xdf: {  	s0 =	simm.s32 @!p0 $0x2  }
0xe0: {  	_ =	swait.ge @!p0 [sflag:s0], s1  }
0xe1: {  	s1 =	ssub.s32 @!p0 $0x0, s1;
	[sflag:s0] =	ssyncset.done @!p0 $0x0  }
0xe2: {  	[sflag:s0] =	ssyncadd.s32 @!p0 s1  }
0xe3: {  	[bflag:$0x3] =	sbarrier.arrive $0xFFFF  }
0xe4: {  	_ =	shalt  }

// kernel: kernel.9.cloned.1.call-start
scs
__scs_entry_jumppad:
0x0: {  	(pc) =	sbr.rel $0x88, $3  }
0x1: {  	(tag) =	ssettag $0x0;
	lr =	simm.s32 $0x1  }
0x2: {  	[smem:$0x3F92] =	sst lr;
	_ =	strace $0xD0000000  }
0x3: {  	_ = 	snop  }
0x4: {  	_ = 	snop  }
0x5: {  	_ = 	snop  }
0x6: {  	_ = 	snop  }
0x7: {  	_ = 	snop  }
__scs_overlays_trampoline_lowered:
0x8: {  	[smem:$0x3FA1] =	sst s0  }
0x9: {  	[smem:$0x3FA2] =	sst s1  }
0xa: {  	[smem:$0x3FA3] =	sst s2  }
0xb: {  	[smem:$0x3FA4] =	sst s3  }
0xc: {  	[smem:$0x3FA5] =	sst s4  }
0xd: {  	[smem:$0x3FA6] =	sst s5  }
0xe: {  	[smem:$0x3FA7] =	sst s6  }
0xf: {  	[smem:$0x3FA8] =	sst s7  }
0x10: {  	[smem:$0x3FA9] =	sst s8  }
0x11: {  	[smem:$0x3FAA] =	sst s9;
	s0 =	simm.s32 @!p0 $0x0  }
0x12: {  	s1 =	sld [smem:$0x3F90];
	s0 =	simm.s32 @p0 $0x1  }
0x13: {  	[smem:$0x3FAB] =	sst s0;
	s0 =	simm.s32 @!p1 $0x0  }
0x14: {  	s2 =	sld [smem:$0x3F8F];
	s0 =	simm.s32 @p1 $0x1  }
0x15: {  	[smem:$0x3FAC] =	sst s0;
	s0 =	simm.s32 @!p2 $0x0  }
0x16: {  	s3 =	sld [smem:$0x3FDB];
	s0 =	simm.s32 @p2 $0x1  }
0x17: {  	s4 =	simm.s32 $0x1BF5;
	[smem:$0x3FAE] =	sst s0  }
0x18: {  	s0 =	sld [smem:$0x3F91];
	_ =	swait.ge [sflag:s4], $0x0  }
0x19: {  	s7 =	sld [smem:$0x3F92]  }
0x1a: {  	s8 =	sadd.s32 $0xFFFFE003, lr  }
0x1b: {  	s9 =	sadd.s32 $0xFFFFFEF7, lr;
	s5 =	simm.s32 $0xFFFFFFFF;
	p2 =	slt.u32 s8, $0xFFFFF086  }
0x1c: {  	p1 =	slt.u32 s9, $0xF7A;
	s5 =	simm.s32 @!p2 $0x0  }
0x1d: {  	s5 =	simm.s32 @p1 $0x1;
	p0 =	seq.s32 s7, s2  }
0x1e: {  	s7 =	smul.u32 @!p0 $0xF7A, s2;
	p2 =	seq.s32 @!p0 s5, $0x0  }
0x1f: {  	s9 =	smul.u32 $0xF7A, s1;
	s8 =	simm.s32 @!p0 $0x1BF5;
	p2 =	por !p2, p0  }
0x20: {  	[sflag:s8] =	ssyncset.s32 @!p0 $0xFFFFF086;
	s6 =	sadd.s32 @!p0 s3, s7;
	s7 =	simm.s32 @!p0 $0x108  }
0x21: {  	s3 =	sadd.s32 s3, s9;
	s6 =	sadd.s32 @!p0 $0x88, s6;
	s7 =	simm.s32 @p2 $0x1082  }
0x22: {  	[simem:s7], [sflag:s8] =	dma.local @!p0 [hbm:s6], $0xF7A  }
0x23: {  	s9 =	sor.u32 $0xD0000000, s2;
	s6 =	simm.s32 $0x108;
	_ =	swait.ge @!p0 [sflag:s8], $0x0  }
0x24: {  	s3 =	sadd.s32 $0x88, s3;
	s6 =	simm.s32 @!p1 $0x1082;
	[sflag:s4] =	ssyncset.s32 $0xFFFFF086  }
0x25: {  	[simem:s6], [sflag:s4] =	dma.local [hbm:s3], $0xF7A  }
0x26: {  	[smem:$0x3F92] =	sst s1;
	(tag) =	ssettag s2;
	_ =	strace s9  }
0x27: {  	s1 =	sld [smem:$0x3FA2]  }
0x28: {  	s2 =	sld [smem:$0x3FA3]  }
0x29: {  	s4 =	sld [smem:$0x3FA5]  }
0x2a: {  	p0 =	seq.s32 s5, $0x0;
	s5 =	sld [smem:$0x3FA6]  }
0x2b: {  	s6 =	sld [smem:$0x3FA7]  }
0x2c: {  	s7 =	sld [smem:$0x3FA8]  }
0x2d: {  	s3 =	simm.s32 $0x108;
	s8 =	sld [smem:$0x3FA9]  }
0x2e: {  	s3 =	simm.s32 @!p0 $0x1082;
	s9 =	sld [smem:$0x3FAA]  }
0x2f: {  	lr =	sadd.s32 s0, s3;
	s0 =	sld [smem:$0x3FA1]  }
0x30: {  	s3 =	sld [smem:$0x3FA4]  }
0x31: {  	[smem:$0x3FAD] =	sst s10  }
0x32: {  	s10 =	sld [smem:$0x3FAB];
	_ =	sdelay $0x3  }
0x33: {  	p0 =	seq.s32 s10, $0x1;
	s10 =	sld [smem:$0x3FAD];
	_ =	sdelay $0x3  }
0x34: {  	[smem:$0x3FAD] =	sst s10  }
0x35: {  	s10 =	sld [smem:$0x3FAC];
	_ =	sdelay $0x3  }
0x36: {  	p1 =	seq.s32 s10, $0x1;
	s10 =	sld [smem:$0x3FAD];
	_ =	sdelay $0x3  }
0x37: {  	[smem:$0x3FAD] =	sst s10  }
0x38: {  	s10 =	sld [smem:$0x3FAE]  }
0x39: {  	_ = 	snop;
	(pc) =	sbr.ind lr, $3  }
0x3a: {  	_ = 	snop  }
0x3b: {  	_ = 	snop  }
0x3c: {  	p2 =	seq.s32 s10, $0x1;
	s10 =	sld [smem:$0x3FAD]  }
0x3d: {  	_ =	shalt  }
0x3e: {  	_ =	shalt  }
0x3f: {  	_ =	shalt  }
0x40: {  	_ =	shalt  }
0x41: {  	_ =	shalt  }
0x42: {  	_ =	shalt  }
0x43: {  	_ =	shalt  }
0x44: {  	_ =	shalt  }
0x45: {  	_ =	shalt  }
0x46: {  	_ =	shalt  }
0x47: {  	_ =	shalt  }
0x48: {  	_ =	shalt  }
0x49: {  	_ =	shalt  }
0x4a: {  	_ =	shalt  }
0x4b: {  	_ =	shalt  }
0x4c: {  	_ =	shalt  }
0x4d: {  	_ =	shalt  }
0x4e: {  	_ =	shalt  }
0x4f: {  	_ =	shalt  }
0x50: {  	_ =	shalt  }
0x51: {  	_ =	shalt  }
0x52: {  	_ =	shalt  }
0x53: {  	_ =	shalt  }
0x54: {  	_ =	shalt  }
0x55: {  	_ =	shalt  }
0x56: {  	_ =	shalt  }
0x57: {  	_ =	shalt  }
0x58: {  	_ =	shalt  }
0x59: {  	_ =	shalt  }
0x5a: {  	_ =	shalt  }
0x5b: {  	_ =	shalt  }
0x5c: {  	_ =	shalt  }
0x5d: {  	_ =	shalt  }
0x5e: {  	_ =	shalt  }
0x5f: {  	_ =	shalt  }
0x60: {  	_ =	shalt  }
0x61: {  	_ =	shalt  }
0x62: {  	_ =	shalt  }
0x63: {  	_ =	shalt  }
0x64: {  	_ =	shalt  }
0x65: {  	_ =	shalt  }
0x66: {  	_ =	shalt  }
0x67: {  	_ =	shalt  }
0x68: {  	_ =	shalt  }
0x69: {  	_ =	shalt  }
0x6a: {  	_ =	shalt  }
0x6b: {  	_ =	shalt  }
0x6c: {  	_ =	shalt  }
0x6d: {  	_ =	shalt  }
0x6e: {  	_ =	shalt  }
0x6f: {  	_ =	shalt  }
0x70: {  	_ =	shalt  }
0x71: {  	_ =	shalt  }
0x72: {  	_ =	shalt  }
0x73: {  	_ =	shalt  }
0x74: {  	_ =	shalt  }
0x75: {  	_ =	shalt  }
0x76: {  	_ =	shalt  }
0x77: {  	_ =	shalt  }
0x78: {  	_ =	shalt  }
0x79: {  	_ =	shalt  }
0x7a: {  	_ =	shalt  }
0x7b: {  	_ =	shalt  }
0x7c: {  	_ =	shalt  }
0x7d: {  	_ =	shalt  }
0x7e: {  	_ =	shalt  }
0x7f: {  	_ =	shalt  }
0x80: {  	_ =	shalt  }
0x81: {  	_ =	shalt  }
0x82: {  	_ =	shalt  }
0x83: {  	_ =	shalt  }
0x84: {  	_ =	shalt  }
0x85: {  	_ =	shalt  }
0x86: {  	_ =	shalt  }
0x87: {  	_ =	shalt  }
.Lfunc_end0:
.L_simem_size_0:
called_computation.1_lowered:
.L_overlay_start_0:
0x88: {  	s2 =	sld [smem:$0x3FD9]  }
0x89: {  	s3 =	sld [smem:$0x3FFE];
	_ =	sdelay $0x1  }
0x8a: {  	s1 =	srdreg.scid  }
0x8b: {  	s0 =	sand.u32 $0x1, s1  }
0x8c: {  	s17 =	sshll.u32 s0, $0xA;
	s2 =	sadd.s32 s3, s2  }
0x8d: {  	s2 =	sadd.s32 s2, s17  }
0x8e: {  	[smem:$0x3FB9] =	sst s2  }
0x8f: {  	_ = 	snop  }
0x90: {  	s2 =	sld [smem:$0x3FC7];
	(tm) =	ssettm $0x1  }
0x91: {  	s18 =	sld [smem:$0x3FFB];
	_ =	sdelay $0x3  }
0x92: {  	_ =	strace s18  }
0x93: {  	s3 =	sld [smem:$0x3FFC];
	_ =	sdelay $0x3  }
0x94: {  	_ =	strace s3  }
0x95: {  	s3 =	sld [smem:$0x3FFD];
	_ =	sdelay $0x3  }
0x96: {  	_ =	strace s3  }
0x97: {  	_ =	strace $0x8FFFFFFF  }
0x98: {  	s19 =	sld [smem:$0x3FDB];
	_ =	sdelay $0x1  }
0x99: {  	s4 =	simm.s32 $_scs_section_size  }
0x9a: {  	s5 =	simm.s32 $_size__tile_overlayer_lowered;
	s6 =	simm.s32 $_tile_overlayer_lowered  }
0x9b: {  	s22 =	simm.s32 $0x1BFF;
	s21 =	sshll.u32 s6, $0x1;
	s3 =	sadd.s32 s4, s19  }
0x9c: {  	s7 =	simm.s32 $0x0;
	s20 =	sshll.u32 s5, $0x1;
	s5 =	sadd.s32 s21, s3  }
0x9d: {  	[timem:s7], [sflag:s22] =	dma.local [hbm:s5], s20  }
0x9e: {  	_ =	swait.ge [sflag:s22], s20  }
0x9f: {  	s4 =	ssub.s32 $0x0, s20;
	[sflag:s22] =	ssyncset.done $0x0  }
0xa0: {  	[sflag:s22] =	ssyncadd.s32 s4;
	_ =	sdelay $0x1  }
0xa1: {  	s23 =	simm.s32 $0x1B8B  }
0xa2: {  	_ =	swait.ge [sflag:s23], $0x1  }
0xa3: {  	[sflag:s23] =	ssyncset.done $0x0  }
0xa4: {  	s25 =	simm.s32 $0x1B8E;
	s24 =	sld [smem:$0x3FFE];
	[sflag:s23] =	ssyncadd.s32 $0xFFFFFFFF  }
0xa5: {  	s26 =	simm.s32 $execute0_lowered;
	[smem:$0x3FD2] =	sst s25  }
0xa6: {  	s5 =	sshll.u32 s26, $0x1;
	_ =	strace $0x80000046;
	[dreg:$0x1] =	wrdreg $0xFFFFFFFF  }
0xa7: {  	s28 =	simm.s32 $_size_execute0_lowered;
	s3 =	sadd.s32 s3, s5;
	[dreg:$0x0] =	wrdreg $0x0  }
0xa8: {  	s5 =	sshll.u32 s28, $0x1;
	[dreg:$0x2] =	wrdreg s3  }
0xa9: {  	[dreg:$0x3] =	wrdreg s5  }
0xaa: {  	[dreg:$0x4] =	wrdreg $0xC0  }
0xab: {  	_ =	task [dreg:s7], $0x5FFFF  }
0xac: {  	[dreg:$0x1] =	wrdreg $0xFFFFFFFF  }
0xad: {  	[dreg:$0x0] =	wrdreg $0x60  }
0xae: {  	[dreg:$0x2] =	wrdreg s24  }
0xaf: {  	[dreg:$0x3] =	wrdreg s2  }
0xb0: {  	[dreg:$0x4] =	wrdreg $0xB6300  }
0xb1: {  	[dreg:$0x5] =	wrdreg $0x156300  }
0xb2: {  	[dreg:$0x6] =	wrdreg $0xA  }
0xb3: {  	_ =	task.clear_ibuf [dreg:s7], $0x7FFFF;
	_ =	strace $0x90000046  }
0xb4: {  	s29 =	simm.s32 $0xA;
	_ =	strace $0x80000048  }
0xb5: {  	_ =	swait.ge [sflag:s29], $0x1  }
0xb6: {  	[sflag:s29] =	ssyncadd.s32 $0xFFFFFFFF  }
0xb7: {  	_ =	strace $0x90000048  }
0xb8: {  	_ =	sfence  }
0xb9: {  	s30 =	sld [smem:$0x0];
	_ =	sdelay $0x2  }
0xba: {  	s31 =	sshll.u32 s1, $0xD;
	s1 =	sshrl.u32 s1, $0x2  }
0xbb: {  	s3 =	sand.u32 $0x4000, s31;
	s1 =	sadd.s32 s1, s30  }
0xbc: {  	s0 =	sor.u32 s3, s0;
	s1 =	sshll.u32 s1, $0x11  }
0xbd: {  	s0 =	sor.u32 s1, s0  }
0xbe: {  	s0 =	sadd.s32 $0x8F2B, s0  }
0xbf: {  	[sflag:s0] =	ssyncadd.remote.s32 $0x1  }
0xc0: {  	_ =	sfence.sel $0xFFFF  }
0xc1: {  	[dreg:$0x0] =	wrdreg $0xFFFFFFFF;
	(pc) =	sbr.abs _section_cstart, $3  }
0xc2: {  	[dreg:$0x1] =	wrdreg $0xFFFFFFFF  }
0xc3: {  	_ =	task.clear_ibuf [dreg:s7], $0x2FFFF;
	_ =	strace $0x9FFFFFFF  }
0xc4: {  	(tm) =	ssettm $0x7FFFFFFF  }
0xc5: {  	_ =	shalt  }
tec
execute0_lowered:
.L_overlay_start_1:
0x0: {  	(tag) =	ssettag $0x1  }
0x1: {  	s0 =	rddreg [dreg:$0x0]  }
0x2: {  	s1 =	rddreg [dreg:$0x1]  }
0x3: {  	s2 =	rddreg [dreg:$0x2]  }
0x4: {  	s3 =	rddreg [dreg:$0x3];
	s12 =	stileid.u32;
	s4 =	simm.s32 $0x0  }
0x5: {  	s6 =	srdreg.scid;
	s17 =	simm.s32 $0x2;
	s19 =	simm.s32 $0x2710  }
0x6: {  	s21 =	simm.s32 $0x8930;
	s22 =	simm.s32 $0x50;
	s28 =	simm.s32 $0x8E30  }
0x7: {  	s29 =	simm.s32 $0xAE30;
	s30 =	simm.s32 $0x0;
	s5 =	smul.u32 $0x4E2, s12  }
0x8: {  	[smem:$0x7FF] =	sst s4;
	s6 =	sand.u32 $0x1, s6;
	s9 =	smul.u32 $0x28000, s12  }
0x9: {  	s8 =	sadd.s32 $0x33C00, s0;
	s10 =	sadd.s32 $0x33600, s0;
	s11 =	smul.u32 $0xA000, s12  }
0xa: {  	s13 =	sadd.s32 $0x33400, s0;
	_ =	strace $0x80000047;
	[dreg:$0x5] =	wrdreg s8  }
0xb: {  	s26 =	sshll.u32 s12, $0x6;
	s23 =	ssub.s32 $0x2, s6;
	[dreg:$0x6] =	wrdreg s10  }
0xc: {  	[dreg:$0x7] =	wrdreg s13;
	s8 =	smul.u32 $0x280, s12;
	p1 =	seq.s32 s6, $0x1  }
0xd: {  	p0 =	seq.s32 s6, $0x0;
	s7 =	sadd.s32 s5, s0;
	s24 =	sshrl.u32 s23, $0x1  }
0xe: {  	s9 =	sshrl.u32 s9, $0x2;
	s11 =	sshrl.u32 s11, $0x2;
	s25 =	ssub.s32 s23, s24  }
0xf: {  	s16 =	sadd.s32 s9, s2;
	s9 =	sor.u32 $0x1C02, s26;
	s18 =	sadd.s32 s11, s3  }
0x10: {  	s31 =	sadd.s32 $0x7000, s7;
	s11 =	sadd.s32 s1, s5;
	s1 =	simm.s32 $0x1FA00  }
0x11: {  	s5 =	simm.s32 $0x49000;
	s12 =	sadd.s32 $0x2000, s7;
	s23 =	simm.s32 $0x7530  }
0x12: {  	s24 =	simm.s32 $0x3;
	s26 =	simm.s32 $0x3;
	[dreg:$0x8] =	wrdreg s31  }
0x13: {  	s1 =	simm.s32 @!p1 $0xC000;
	s5 =	simm.s32 @!p0 $0x35000;
	s13 =	smax.u32 s25, $0x1  }
0x14: {  	s16 =	sshrl.u32 s16, $0x3;
	s18 =	sshrl.u32 s18, $0x3;
	s25 =	simm.s32 $0x1  }
0x15: {  	s24 =	simm.s32 @!p0 $0x2;
	s14 =	sadd.s32 s1, s0;
	s15 =	sadd.s32 s5, s0  }
.LBB2_1:
0x16: {  	s0 =	rddreg [dreg:$0x5]  }
0x17: {  	[spmem:s16], [sflag:s9] =	dma.local [hbm:s0], $0x1400  }
0x18: {  	_ =	swait.ge [sflag:s17], $0x1400  }
0x19: {  	[sflag:s17] =	ssyncset.done $0x0  }
0x1a: {  	s6 =	rddreg [dreg:$0x6];
	[sflag:s17] =	ssyncadd.s32 $0xFFFFEC00  }
0x1b: {  	[spmem:s18], [sflag:s9] =	dma.local [hbm:s6], $0x500  }
0x1c: {  	_ =	swait.ge [sflag:s17], $0x500  }
0x1d: {  	[sflag:s17] =	ssyncset.done $0x0  }
0x1e: {  	s7 =	rddreg [dreg:$0x8];
	[sflag:s17] =	ssyncadd.s32 $0xFFFFFB00  }
0x1f: {  	[tilespmem:s4], [sflag:$0x2] =	stream.linear.gather [hbm4b:s7+s4], $0x2710, $0x38;
	[tilespmem:$0x17E30] =	vst v63  }
0x20: {  	_ =	swait.ge [sflag:s17], $0x2710  }
0x21: {  	[sflag:s17] =	ssyncset.done $0x0  }
0x22: {  	[sflag:s17] =	ssyncadd.s32 $0xFFFFD8F0  }
0x23: {  	[tilespmem:s19], [sflag:$0x2] =	stream.linear.gather [hbm4b:s11+s4], $0x2710, $0x38;
	[tilespmem:$0x17E30] =	vst v63  }
0x24: {  	_ =	swait.ge [sflag:s17], $0x2710  }
0x25: {  	[sflag:s17] =	ssyncset.done $0x0  }
0x26: {  	s10 =	simm.s32 $0x4E20;
	[sflag:s17] =	ssyncadd.s32 $0xFFFFD8F0  }
0x27: {  	[tilespmem:s10], [sflag:$0x2] =	stream.linear.gather [hbm4b:s12+s4], $0x2710, $0x38;
	[tilespmem:$0x17E30] =	vst v63  }
0x28: {  	_ =	swait.ge [sflag:s17], $0x2710  }
0x29: {  	[sflag:s17] =	ssyncset.done $0x0  }
0x2a: {  	s20 =	rddreg [dreg:$0x7];
	[sflag:s17] =	ssyncadd.s32 $0xFFFFD8F0  }
0x2b: {  	[tilespmem:s21], [sflag:$0x2] =	stream.linear.gather [hbm4b:s20+s4], $0x500, $0x38;
	[tilespmem:$0x17E30] =	vst v63  }
0x2c: {  	_ =	swait.ge [sflag:s17], $0x500  }
0x2d: {  	[sflag:s17] =	ssyncset.done $0x0  }
0x2e: {  	[sflag:s17] =	ssyncadd.s32 $0xFFFFFB00  }
0x2f: {  	s31 =	simm.s32 $0x0;
	s0 =	simm.s32 $0x0;
	[bflag:$0x0] =	sbarrier.arrive $0xFFFF  }
.LBB2_2:
0x30: {  	s5 =	sadd.s32 $0xFFFFFFFE, s31  }
0x31: {  	s1 =	sadd.s32 $0x2, s5  }
0x32: {  	v0 =	vmov s1  }
0x33: {  	s1 =	smul.u32 $0x50, s0;
	v0 =	vand.u32 $0xFFFFFFFE, v0  }
0x34: {  	v0 =	vbroadcast v0, $0x0  }
0x35: {  	[tilespmem:s23], [sflag:$0x1] =	stream.indirect.gather [hbm4b:s14+s22], $0x40, s1, s22, $0xb8;
	[tilespmem:$0x17E30] =	vst v63  }
0x36: {  	_ =	swait.ge [sflag:s25], $0x1400  }
0x37: {  	[sflag:s25] =	ssyncset.done $0x0  }
0x38: {  	s20 =	simm.s32 $0x7570;
	[sflag:s25] =	ssyncadd.s32 $0xFFFFEC00  }
0x39: {  	v1 =	vld [tilespmem:s20+$0xFFFFFFF0]  }
0x3a: {  	v0 =	vld.idx.msk [tilespmem:v0+s19+$0x0], $0xffff  }
0x3b: {  	v2 =	vld [tilespmem:s20+$0xFFFFFFC0]  }
0x3c: {  	v3 =	vld [tilespmem:s20+$0xFFFFFFD0]  }
0x3d: {  	v4 =	vld [tilespmem:s20+$0xFFFFFFE0];
	_ =	sdelay $0x1  }
0x3e: {  	s5 =	sadd.s32 $0x3, s5;
	v1 =	vmul.f32 v1, v0  }
0x3f: {  	v5 =	vmov s5;
	v2 =	vmul.f32 v2, v0  }
0x40: {  	v3 =	vmul.f32 v3, v0;
	[tilespmem:s20+$0xFFFFFFF0] =	vst v1  }
0x41: {  	v0 =	vmul.f32 v4, v0;
	[tilespmem:s20+$0xFFFFFFC0] =	vst v2  }
0x42: {  	[tilespmem:s20+$0xFFFFFFD0] =	vst v3;
	v1 =	vld [tilespmem:s20+$0x30]  }
0x43: {  	[tilespmem:s20+$0xFFFFFFE0] =	vst v0;
	v2 =	vld [tilespmem:s20+$0x0]  }
0x44: {  	v0 =	vld.idx.msk [tilespmem:v5+s19+$0x0], $0xffff  }
0x45: {  	s7 =	sadd.s32 $0x0, s31;
	v3 =	vld [tilespmem:s20+$0x10]  }
0x46: {  	s10 =	sadd.s32 $0x2, s7;
	v4 =	vld [tilespmem:s20+$0x20]  }
0x47: {  	s6 =	simm.s32 $0x2;
	s7 =	sadd.s32 $0x3, s7;
	s5 =	simm.s32 $0x7570;
	v5 =	vmov s10  }
.LBB2_3:
0x48: {  	v5 =	vand.u32 $0xFFFFFFFE, v5;
	s20 =	sadd.s32 $0x80, s20;
	s10 =	smov.u32 s6;
	s6 =	sadd.s32 $0x2, s6  }
0x49: {  	p0 =	slt.u32 s6, $0x4E;
	v5 =	vbroadcast v5, $0x0;
	v2 =	vmul.f32 v2, v0  }
0x4a: {  	v1 =	vmul.f32 v1, v0;
	v3 =	vmul.f32 v3, v0  }
0x4b: {  	[tilespmem:s5+$0x0] =	vst v2;
	v0 =	vmul.f32 v4, v0  }
0x4c: {  	[tilespmem:s5+$0x30] =	vst v1  }
0x4d: {  	v1 =	vld [tilespmem:s20+$0xFFFFFFF0];
	[tilespmem:s5+$0x10] =	vst v3  }
0x4e: {  	v2 =	vld [tilespmem:s20+$0xFFFFFFD0];
	[tilespmem:s5+$0x20] =	vst v0;
	s5 =	smov.u32 s20  }
0x4f: {  	v0 =	vld.idx.msk [tilespmem:v5+s19+$0x0], $0xffff  }
0x50: {  	v3 =	vld [tilespmem:s20+$0xFFFFFFC0]  }
0x51: {  	v4 =	vld [tilespmem:s20+$0xFFFFFFE0];
	_ =	sdelay $0x3  }
0x52: {  	v1 =	vmul.f32 v1, v0;
	v3 =	vmul.f32 v3, v0  }
0x53: {  	v2 =	vmul.f32 v2, v0;
	v0 =	vmul.f32 v4, v0;
	v4 =	vmov s7  }
0x54: {  	[tilespmem:s20+$0xFFFFFFF0] =	vst v1  }
0x55: {  	[tilespmem:s20+$0xFFFFFFC0] =	vst v3  }
0x56: {  	[tilespmem:s20+$0xFFFFFFD0] =	vst v2  }
0x57: {  	[tilespmem:s20+$0xFFFFFFE0] =	vst v0;
	v1 =	vld [tilespmem:s20+$0x30]  }
.Ltmp0:
0x58: {  	v0 =	vld.idx.msk [tilespmem:v4+s19+$0x0], $0xffff;
	(pc) =	sbr.rel @p0 .LBB2_3-.Ltmp0, $4  }
0x59: {  	v2 =	vld [tilespmem:s20+$0x0]  }
0x5a: {  	s7 =	sadd.s32 s10, s31;
	v3 =	vld [tilespmem:s20+$0x10]  }
0x5b: {  	s10 =	sadd.s32 $0x2, s7;
	s7 =	sadd.s32 $0x3, s7;
	v4 =	vld [tilespmem:s20+$0x20]  }
0x5c: {  	v5 =	vmov s10  }
0x5d: {  	v5 =	vand.u32 $0xFFFFFFFE, v5  }
0x5e: {  	v1 =	vmul.f32 v1, v0;
	v5 =	vbroadcast v5, $0x0  }
0x5f: {  	v2 =	vmul.f32 v2, v0  }
0x60: {  	v3 =	vmul.f32 v3, v0;
	[tilespmem:s5+$0x30] =	vst v1  }
0x61: {  	s6 =	sadd.s32 $0x80, s20;
	[tilespmem:s5+$0x0] =	vst v2;
	v54 =	vmul.f32 v4, v0  }
0x62: {  	v55 =	vld [tilespmem:s6+$0xFFFFFFF0];
	[tilespmem:s5+$0x10] =	vst v3  }
0x63: {  	[tilespmem:s5+$0x20] =	vst v54  }
0x64: {  	v0 =	vld.idx.msk [tilespmem:v5+s19+$0x0], $0xffff  }
0x65: {  	v56 =	vld [tilespmem:s6+$0xFFFFFFC0]  }
0x66: {  	v57 =	vld [tilespmem:s6+$0xFFFFFFD0]  }
0x67: {  	v58 =	vld [tilespmem:s6+$0xFFFFFFE0];
	_ =	sdelay $0x1  }
0x68: {  	v1 =	vmul.f32 v55, v0  }
0x69: {  	v59 =	vmov s7;
	v2 =	vmul.f32 v56, v0  }
0x6a: {  	v3 =	vmul.f32 v57, v0;
	[tilespmem:s6+$0xFFFFFFF0] =	vst v1  }
0x6b: {  	v0 =	vmul.f32 v58, v0;
	[tilespmem:s6+$0xFFFFFFC0] =	vst v2  }
0x6c: {  	[tilespmem:s6+$0xFFFFFFD0] =	vst v3  }
0x6d: {  	v60 =	vld [tilespmem:s6+$0x0];
	[tilespmem:s6+$0xFFFFFFE0] =	vst v0  }
0x6e: {  	v0 =	vld.idx.msk [tilespmem:v59+s19+$0x0], $0xffff  }
0x6f: {  	v61 =	vld [tilespmem:s6+$0x30]  }
0x70: {  	v62 =	vld [tilespmem:s6+$0x10]  }
0x71: {  	v63 =	vld [tilespmem:s6+$0x20];
	_ =	sdelay $0x1  }
0x72: {  	v1 =	vmul.f32 v60, v0  }
0x73: {  	v2 =	vmul.f32 v61, v0  }
0x74: {  	v3 =	vmul.f32 v62, v0;
	[tilespmem:s6+$0x0] =	vst v1  }
0x75: {  	v0 =	vmul.f32 v63, v0;
	[tilespmem:s6+$0x30] =	vst v2  }
0x76: {  	[tilespmem:s6+$0x10] =	vst v3  }
0x77: {  	s1 =	sadd.s32 $0x4E20, s1;
	[tilespmem:s6+$0x20] =	vst v0  }
0x78: {  	[spmem:s2] =	stream.indirect.scatter.add.f32 [tilespmem:s23], [sflag:$0x2], $0x40, s1, s22, $0xb8;
	[tilespmem:$0x17E30] =	vst v63  }
0x79: {  	s0 =	sadd.s32 $0x1, s0;
	_ =	swait.ge [sflag:s17], $0x1400  }
0x7a: {  	p0 =	sne.s32 s0, $0x7D;
	[sflag:s17] =	ssyncset.done $0x0  }
.Ltmp1:
0x7b: {  	[sflag:s17] =	ssyncadd.s32 $0xFFFFEC00;
	(pc) =	sbr.rel @p0 .LBB2_2-.Ltmp1, $4  }
0x7c: {  	[spmem:s3] =	stream.indirect.scatter.add.f32 [tilespmem:s21], [sflag:$0x2], $0x10, s1, s22, $0xb8;
	[tilespmem:$0x17E30] =	vst v63  }
0x7d: {  	_ =	swait.ge [sflag:s17], $0x500  }
0x7e: {  	[sflag:s17] =	ssyncset.done $0x0  }
0x7f: {  	s31 =	sadd.s32 $0x50, s31;
	[sflag:s17] =	ssyncadd.s32 $0xFFFFFB00  }
0x80: {  	[bflag:$0x0] =	sbarrier.arrive $0xFFFF;
	s0 =	simm.s32 $0x0  }
.LBB2_6:
0x81: {  	s1 =	sshll.u32 s0, $0x7  }
0x82: {  	s1 =	sadd.s32 s8, s1  }
0x83: {  	s5 =	sshll.u32 s1, $0x6  }
0x84: {  	s5 =	sand.u32 $0x3FFFFFC0, s5  }
0x85: {  	s5 =	sadd.s32 s5, s2  }
0x86: {  	[tilespmem:s28], [sflag:$0x3] =	stream.linear.gather [spmem:s5], $0x2000, $0x38;
	[tilespmem:$0x17E30] =	vst v63  }
0x87: {  	s20 =	sshll.u32 s1, $0x4;
	_ =	swait.ge [sflag:s26], $0x2000  }
0x88: {  	s5 =	sand.u32 $0x3FFFFFF0, s20;
	[sflag:s26] =	ssyncset.done $0x0  }
0x89: {  	s5 =	sadd.s32 s5, s3;
	[sflag:s26] =	ssyncadd.s32 $0xFFFFE000  }
0x8a: {  	[tilespmem:s29], [sflag:$0x3] =	stream.linear.gather [spmem:s5], $0x800, $0x38;
	[tilespmem:$0x17E30] =	vst v63  }
0x8b: {  	_ =	swait.ge [sflag:s26], $0x800  }
0x8c: {  	[sflag:s26] =	ssyncset.done $0x0  }
0x8d: {  	s31 =	simm.s32 $0xAE40;
	[sflag:s26] =	ssyncadd.s32 $0xFFFFF800  }
0x8e: {  	v0 =	vld [tilespmem:s31+$0xFFFFFFF0];
	_ =	sdelay $0x4  }
0x8f: {  	v0 =	vmax.f32 v0, $1.000000000e+00  }
0x90: {  	(erf) = vrcp.f32 v0;
	_ =	sdelay $0x3  }
0x91: {  	s20 =	simm.s32 $0x8E70  }
0x92: {  	v0 =	vld [tilespmem:s20+$0xFFFFFFF0]  }
0x93: {  	v1 =	vld [tilespmem:s20+$0xFFFFFFC0]  }
0x94: {  	v2 =	vld [tilespmem:s20+$0xFFFFFFD0]  }
0x95: {  	v3 =	vld [tilespmem:s20+$0xFFFFFFE0]  }
0x96: {  	v4 =	vpop (erf)  }
0x97: {  	v0 =	vmul.f32 v0, v4  }
0x98: {  	v1 =	vmul.f32 v4, v1  }
0x99: {  	v2 =	vmul.f32 v2, v4;
	[tilespmem:s20+$0xFFFFFFF0] =	vst v0  }
0x9a: {  	v0 =	vmul.f32 v3, v4;
	[tilespmem:s20+$0xFFFFFFC0] =	vst v1  }
0x9b: {  	[tilespmem:s20+$0xFFFFFFD0] =	vst v2  }
0x9c: {  	[tilespmem:s20+$0xFFFFFFE0] =	vst v0  }
0x9d: {  	v2 =	vld [tilespmem:s31+$0x0];
	_ =	sdelay $0x4  }
0x9e: {  	v3 =	vmax.f32 v2, $1.000000000e+00  }
0x9f: {  	(erf) = vrcp.f32 v3;
	_ =	sdelay $0x2  }
0xa0: {  	v1 =	vld [tilespmem:s20+$0x0]  }
0xa1: {  	v0 =	vld [tilespmem:s20+$0x30]  }
0xa2: {  	v2 =	vld [tilespmem:s20+$0x10]  }
0xa3: {  	s6 =	simm.s32 $0x0;
	s5 =	simm.s32 $0x8E70;
	v3 =	vld [tilespmem:s20+$0x20]  }
.LBB2_7:
0xa4: {  	_ =	sdelay $0x1  }
0xa5: {  	s6 =	sadd.s32 $0x2, s6;
	s31 =	sadd.s32 $0x20, s31;
	s20 =	sadd.s32 $0x80, s20;
	v4 =	vpop (erf)  }
0xa6: {  	p0 =	slt.u32 s6, $0x7E;
	v1 =	vmul.f32 v4, v1;
	v2 =	vmul.f32 v2, v4  }
0xa7: {  	v0 =	vmul.f32 v0, v4;
	v3 =	vmul.f32 v3, v4  }
0xa8: {  	[tilespmem:s5+$0x0] =	vst v1  }
0xa9: {  	[tilespmem:s5+$0x10] =	vst v2  }
0xaa: {  	[tilespmem:s5+$0x30] =	vst v0  }
0xab: {  	[tilespmem:s5+$0x20] =	vst v3;
	s5 =	smov.u32 s20  }
0xac: {  	v0 =	vld [tilespmem:s31+$0xFFFFFFF0];
	_ =	sdelay $0x4  }
0xad: {  	v0 =	vmax.f32 v0, $1.000000000e+00  }
0xae: {  	(erf) = vrcp.f32 v0;
	_ =	sdelay $0x2  }
0xaf: {  	v0 =	vld [tilespmem:s20+$0xFFFFFFE0]  }
0xb0: {  	v1 =	vld [tilespmem:s20+$0xFFFFFFF0]  }
0xb1: {  	v2 =	vld [tilespmem:s20+$0xFFFFFFC0]  }
0xb2: {  	v3 =	vld [tilespmem:s20+$0xFFFFFFD0];
	_ =	sdelay $0x2  }
0xb3: {  	v4 =	vpop (erf)  }
0xb4: {  	v2 =	vmul.f32 v4, v2;
	v1 =	vmul.f32 v1, v4  }
0xb5: {  	v0 =	vmul.f32 v0, v4;
	v3 =	vmul.f32 v3, v4  }
0xb6: {  	[tilespmem:s20+$0xFFFFFFF0] =	vst v1  }
0xb7: {  	[tilespmem:s20+$0xFFFFFFC0] =	vst v2  }
0xb8: {  	[tilespmem:s20+$0xFFFFFFD0] =	vst v3  }
0xb9: {  	[tilespmem:s20+$0xFFFFFFE0] =	vst v0  }
0xba: {  	v0 =	vld [tilespmem:s31+$0x0];
	_ =	sdelay $0x4  }
0xbb: {  	v0 =	vmax.f32 v0, $1.000000000e+00  }
0xbc: {  	(erf) = vrcp.f32 v0;
	_ =	sdelay $0x1  }
.Ltmp2:
0xbd: {  	(pc) =	sbr.rel @p0 .LBB2_7-.Ltmp2, $4  }
0xbe: {  	v1 =	vld [tilespmem:s20+$0x0]  }
0xbf: {  	v0 =	vld [tilespmem:s20+$0x30]  }
0xc0: {  	v2 =	vld [tilespmem:s20+$0x10]  }
0xc1: {  	v3 =	vld [tilespmem:s20+$0x20]  }
0xc2: {  	_ =	sdelay $0x1  }
0xc3: {  	v4 =	vpop (erf)  }
0xc4: {  	v1 =	vmul.f32 v4, v1  }
0xc5: {  	v2 =	vmul.f32 v2, v4  }
0xc6: {  	v0 =	vmul.f32 v0, v4;
	[tilespmem:s5+$0x0] =	vst v1  }
0xc7: {  	s0 =	sadd.s32 $0x1, s0;
	v63 =	vmul.f32 v3, v4;
	[tilespmem:s5+$0x10] =	vst v2  }
0xc8: {  	s1 =	sshll.u32 s1, $0x3;
	p0 =	sne.s32 s0, $0x5;
	[tilespmem:s5+$0x30] =	vst v0  }
.Ltmp3:
0xc9: {  	s1 =	sadd.s32 s15, s1;
	[tilespmem:s5+$0x20] =	vst v63;
	(pc) =	sbr.rel @p0 .LBB2_6-.Ltmp3, $4  }
0xca: {  	[hbm4b:s1+s4] =	stream.linear.scatter [tilespmem:s28], [sflag:s24], $0x2000, $0x38;
	[tilespmem:$0x17E30] =	vst v63  }
0xcb: {  	_ =	swait.ge [sflag:s24], $0x2000  }
0xcc: {  	[sflag:s24] =	ssyncset.done $0x0  }
0xcd: {  	[sflag:s24] =	ssyncadd.s32 $0xFFFFE000  }
0xce: {  	s30 =	sadd.s32 $0x1, s30  }
0xcf: {  	p0 =	sne.s32 s30, s13  }
.Ltmp4:
0xd0: {  	_ = 	snop;
	(pc) =	sbr.rel @p0 .LBB2_1-.Ltmp4, $1  }
0xd1: {  	_ =	sdelay $0x3  }
0xd2: {  	_ =	sfence.sel $0x180000  }
0xd3: {  	[bflag:$0x0] =	sbarrier.arrive $0xFFFF  }
0xd4: {  	_ =	strace $0x90000047  }
0xd5: {  	s0 =	stileid.u32;
	[bflag:$0x2] =	sbarrier.arrive $0xFFFF  }
0xd6: {  	p0 =	sne.s32 s0, $0x0;
	s0 =	rddreg [dreg:$0x4]  }
0xd7: {  	s0 =	sadd.s32 @!p0 $0x100000, s0  }
0xd8: {  	[sflag:s0] =	ssyncadd.tile.s32 @!p0 $0x1;
	_ =	shalt  }
.Lfunc_end2:
_tile_overlayer_lowered:
.L_overlay_start_2:
0xd9: {  	(tag) =	ssettag $0x2  }
0xda: {  	s0 =	rddreg [dreg:$0x0];
	s2 =	stileid.u32  }
0xdb: {  	s1 =	rddreg [dreg:$0x1];
	p0 =	sne.s32 s2, $0x0  }
0xdc: {  	s3 =	rddreg [dreg:$0x2];
	[bflag:$0x3] =	sbarrier.arrive $0xFFFF;
	s2 =	simm.s32 @!p0 $0x1C02  }
0xdd: {  	[timem:s3], [sflag:s2] =	dma.local @!p0 [hbm:s0], s1  }
0xde: {  	s0 =	simm.s32 @!p0 $0x2  }
0xdf: {  	_ =	swait.ge @!p0 [sflag:s0], s1  }
0xe0: {  	s1 =	ssub.s32 @!p0 $0x0, s1;
	[sflag:s0] =	ssyncset.done @!p0 $0x0  }
0xe1: {  	[sflag:s0] =	ssyncadd.s32 @!p0 s1  }
0xe2: {  	[bflag:$0x3] =	sbarrier.arrive $0xFFFF  }
0xe3: {  	_ =	shalt  }

</sc_bundles>
